<compile_context>
chip_gen: v7x
topology: tpu7x:2x2x1
jax: 0.10.2.dev20260603
libtpu: 0.0.44.dev20260713+nightly
codegen_flags: <defaults>
</compile_context>

<pallas_src>
import functools

import jax
import jax.numpy as jnp
from jax import lax
from jax.experimental import pallas as pl
from jax.experimental.pallas import tpu as pltpu
from jax.experimental.pallas import tpu_sc as plsc

_NC = 2
_NS = 16
_NW = _NC * _NS

_R = 4
_SPLITS = ((0, 96), (96, 104))


def _embed_body(rows_per_w, seq, table_hbm, idx_hbm, out_hbm, idx_v, rows_v,
                gsem, osem):
    wid = lax.axis_index("s") * _NC + lax.axis_index("c")
    row0 = wid * rows_per_w
    n_step = rows_per_w // _R
    pltpu.sync_copy(idx_hbm.at[pl.ds(row0 * seq, rows_per_w * seq)], idx_v)

    def out_drain(b):
        pltpu.make_async_copy(
            rows_v.at[b], out_hbm.at[pl.ds(row0, _R)], osem
        ).wait()

    def body(i, carry):
        for b in range(2):
            s = i * 2 + b

            @pl.when(s >= 2)
            def _():
                out_drain(b)

            descs = []
            for r in range(_R):
                for off, ln in _SPLITS:
                    descs.append(pltpu.make_async_copy(
                        table_hbm.at[
                            idx_v.at[pl.ds((s * _R + r) * seq + off, ln)]],
                        rows_v.at[b, r, pl.ds(off, ln)],
                        gsem,
                    ))
            for dsc in descs:
                dsc.start()
            for dsc in descs:
                dsc.wait()

            pltpu.make_async_copy(
                rows_v.at[b], out_hbm.at[pl.ds(row0 + s * _R, _R)], osem
            ).start()
        return carry

    lax.fori_loop(0, n_step // 2, body, 0)
    for b in range(2):
        out_drain(b)


@functools.partial(jax.jit, static_argnums=(2, 3))
def _embed(idx, W, batch, seq):
    d = W.shape[1]
    rows_per_w = batch // _NW
    mesh = plsc.VectorSubcoreMesh(core_axis_name="c", subcore_axis_name="s")
    k = pl.kernel(
        functools.partial(_embed_body, rows_per_w, seq),
        out_type=jax.ShapeDtypeStruct((batch, seq, d), jnp.float32),
        mesh=mesh,
        scratch_types=[
            pltpu.VMEM((rows_per_w * seq,), jnp.int32),
            pltpu.VMEM((2, _R, seq, d), jnp.float32),
            pltpu.SemaphoreType.DMA,
            pltpu.SemaphoreType.DMA,
        ],
        compiler_params=pltpu.CompilerParams(use_tc_tiling_on_sc=False),
    )
    return k(W, idx)


def kernel(x, W):
    batch, seq = x.shape
    idx = x.reshape(-1).astype(jnp.int32)
    half = batch // 2
    o1 = _embed(idx[: half * seq], W, half, seq)
    o2 = _embed(idx[half * seq:], W, half, seq)
    return jnp.concatenate([o1, o2], axis=0)

# --- scband reference (transcript-rebuilt; emitter-appended) ---
"""Pipeline reference for scband-embedding-51943334478442 (READ-ONLY COPY).

The authoritative reference and input builder live on the scoring server;
editing this copy changes nothing except your own understanding.
"""

import jax, jax.numpy as jnp
import numpy as np

NUM_EMBEDDINGS = 1000000
EMBEDDING_DIM = 32
BATCH = 4096
SEQ_LEN = 200

def setup_inputs(seed: int = 0) -> dict:
    key = jax.random.key(seed)
    k_x, k_w = jax.random.split(key)
    x = jax.random.randint(k_x, (BATCH, SEQ_LEN), 0, NUM_EMBEDDINGS, dtype=jnp.int64 if jax.config.jax_enable_x64 else jnp.int32)
    # trunc_normal(mean=0, std=1, a=-3, b=3) approximated by clipped normal
    W = jnp.clip(jax.random.normal(k_w, (NUM_EMBEDDINGS, EMBEDDING_DIM), dtype=jnp.float32), -3.0, 3.0)
    return {"x": x, "W": W}

def reference(x, W):
    batch_size, seq_len = x.shape[0], x.shape[1]
    d_model = W.shape[1]
    y = x.reshape(-1)
    # torch.gather(W, dim=0, index=broadcast(y)) == row gather from table
    z = jnp.take(W, y, axis=0)
    z = z.reshape((batch_size, seq_len, d_model))
    return z

if __name__ == "__main__":
    import jax
    _d = setup_inputs()
    print(jax.jit(kernel)(*tuple(_d.values())))

</pallas_src>

<mosaic_0001>
#map = affine_map<(d0, d1) -> (0, 0)>
#map1 = affine_map<(d0, d1) -> (0)>
#map2 = affine_map<(d0, d1) -> (0, 0, 0)>
module attributes {stable_mosaic.version = 14 : i64} {
  func.func @_embed_body(%arg0: i32, %arg1: i32, %arg2: memref<1000000x32xf32, #tpu.memory_space<hbm>>, %arg3: memref<409600xi32, #tpu.memory_space<hbm>>, %arg4: memref<2048x200x32xf32, #tpu.memory_space<hbm>>, %arg5: memref<12800xi32, #tpu.memory_space<vmem>>, %arg6: memref<2x4x200x32xf32, #tpu.memory_space<vmem>>, %arg7: memref<!tpu.dma_semaphore, #tpu.memory_space<semaphore_mem>>, %arg8: memref<!tpu.dma_semaphore, #tpu.memory_space<semaphore_mem>>) attributes {dimension_semantics = [#tpu.dimension_semantics<core_parallel>, #tpu.dimension_semantics<subcore_parallel>], iteration_bounds = array<i64: 2, 16>, scalar_prefetch = 0 : i64, scratch_operands = 4 : i64, tpu.core_type = #tpu.core_type<sc_vector_subcore>, window_params = [{transform_indices = #map}, {transform_indices = #map1}, {transform_indices = #map2}]} {
    %mul3A = arith.constant 2 : i32
    %mul3A_0 = arith.muli %arg1, %mul3A : i32
    %add3A = arith.addi %mul3A_0, %arg0 : i32
    %mul3A_1 = arith.constant 64 : i32
    %mul3A_2 = arith.muli %add3A, %mul3A_1 : i32
    %mul3A_3 = arith.constant 200 : i32
    %mul3A_4 = arith.muli %mul3A_2, %mul3A_3 : i32
    "tpu.region"() ({
      %run_scoped3A = tpu.sem_alloc : memref<!tpu.dma_semaphore, #tpu.memory_space<semaphore_mem>>
      %dma_start3A = tpu.memref_slice %arg3[%mul3A_4] : memref<409600xi32, #tpu.memory_space<hbm>> -> memref<12800xi32, #tpu.memory_space<hbm>>
      %dma_start3A_43 = tpu.memref_slice %arg3[%mul3A_4] : memref<409600xi32, #tpu.memory_space<hbm>> -> memref<12800xi32, #tpu.memory_space<hbm>>
      tpu.enqueue_dma source(%dma_start3A_43 : memref<12800xi32, #tpu.memory_space<hbm>>) target(%arg5 : memref<12800xi32, #tpu.memory_space<vmem>>) target_semaphore(%run_scoped3A : memref<!tpu.dma_semaphore, #tpu.memory_space<semaphore_mem>>)
      %dma_wait3A_44 = tpu.memref_slice %arg3[%mul3A_4] : memref<409600xi32, #tpu.memory_space<hbm>> -> memref<12800xi32, #tpu.memory_space<hbm>>
      %dma_wait3A_45 = tpu.memref_slice %arg3[%mul3A_4] : memref<409600xi32, #tpu.memory_space<hbm>> -> memref<12800xi32, #tpu.memory_space<hbm>>
      tpu.wait_dma2 semaphore(%run_scoped3A : memref<!tpu.dma_semaphore, #tpu.memory_space<semaphore_mem>>) src(%dma_wait3A_45 : memref<12800xi32, #tpu.memory_space<hbm>>) dst(%arg5 : memref<12800xi32, #tpu.memory_space<vmem>>)
      tpu.yield
    }) : () -> ()
    %scan3A = arith.constant 0 : i32
    %scan3A_5 = arith.constant 0 : i32
    %scan3A_6 = arith.constant 8 : i32
    %scan3A_7 = arith.addi %scan3A_5, %scan3A_6 : i32
    %scan3A_8 = arith.constant 1 : i32
    scf.for %scan3A_43 = %scan3A_5 to %scan3A_7 step %scan3A_8  : i32 {
      %mul3A_44 = arith.constant 2 : i32
      %mul3A_45 = arith.muli %scan3A_43, %mul3A_44 : i32
      %add3A_46 = arith.constant 0 : i32
      %add3A_47 = arith.addi %mul3A_45, %add3A_46 : i32
      %ge3A = arith.constant 2 : i32
      %ge3A_48 = arith.cmpi sge, %add3A_47, %ge3A : i32
      %convert_element_type3A = arith.extui %ge3A_48 : i1 to i32
      %cond3A = arith.constant 0 : i32
      %cond3A_49 = arith.cmpi ne, %convert_element_type3A, %cond3A : i32
      scf.if %cond3A_49 {
        %dma_wait3A_546 = arith.constant 0 : i32
        %dma_wait3A_547 = arith.constant 0 : i32
        %dma_wait3A_548 = arith.constant 0 : i32
        %dma_wait3A_549 = arith.constant 0 : i32
        %dma_wait3A_550 = tpu.memref_slice %arg6[%dma_wait3A_546, %dma_wait3A_547, %dma_wait3A_548, %dma_wait3A_549] : memref<2x4x200x32xf32, #tpu.memory_space<vmem>> -> memref<1x4x200x32xf32, #tpu.memory_space<vmem>>
        %dma_wait3A_551 = tpu.memref_squeeze %dma_wait3A_550 : memref<1x4x200x32xf32, #tpu.memory_space<vmem>> -> memref<4x200x32xf32, #tpu.memory_space<vmem>>
        %dma_wait3A_552 = arith.constant 0 : i32
        %dma_wait3A_553 = arith.constant 0 : i32
        %dma_wait3A_554 = tpu.memref_slice %arg4[%mul3A_2, %dma_wait3A_552, %dma_wait3A_553] : memref<2048x200x32xf32, #tpu.memory_space<hbm>> -> memref<4x200x32xf32, #tpu.memory_space<hbm>>
        %dma_wait3A_555 = arith.constant 0 : i32
        %dma_wait3A_556 = arith.constant 0 : i32
        %dma_wait3A_557 = tpu.memref_slice %arg4[%mul3A_2, %dma_wait3A_555, %dma_wait3A_556] : memref<2048x200x32xf32, #tpu.memory_space<hbm>> -> memref<4x200x32xf32, #tpu.memory_space<hbm>>
        %dma_wait3A_558 = arith.constant 0 : i32
        %dma_wait3A_559 = arith.constant 0 : i32
        %dma_wait3A_560 = arith.constant 0 : i32
        %dma_wait3A_561 = tpu.memref_slice %arg6[%dma_wait3A_546, %dma_wait3A_558, %dma_wait3A_559, %dma_wait3A_560] : memref<2x4x200x32xf32, #tpu.memory_space<vmem>> -> memref<1x4x200x32xf32, #tpu.memory_space<vmem>>
        %dma_wait3A_562 = tpu.memref_squeeze %dma_wait3A_561 : memref<1x4x200x32xf32, #tpu.memory_space<vmem>> -> memref<4x200x32xf32, #tpu.memory_space<vmem>>
        tpu.wait_dma2 semaphore(%arg8 : memref<!tpu.dma_semaphore, #tpu.memory_space<semaphore_mem>>) src(%dma_wait3A_562 : memref<4x200x32xf32, #tpu.memory_space<vmem>>) dst(%dma_wait3A_557 : memref<4x200x32xf32, #tpu.memory_space<hbm>>)
      } else {
      }
      %mul3A_50 = arith.constant 4 : i32
      %mul3A_51 = arith.muli %add3A_47, %mul3A_50 : i32
      %add3A_52 = arith.constant 0 : i32
      %add3A_53 = arith.addi %mul3A_51, %add3A_52 : i32
      %mul3A_54 = arith.constant 200 : i32
      %mul3A_55 = arith.muli %add3A_53, %mul3A_54 : i32
      %add3A_56 = arith.constant 0 : i32
      %add3A_57 = arith.addi %mul3A_55, %add3A_56 : i32
      %mul3A_58 = arith.constant 4 : i32
      %mul3A_59 = arith.muli %add3A_47, %mul3A_58 : i32
      %add3A_60 = arith.constant 0 : i32
      %add3A_61 = arith.addi %mul3A_59, %add3A_60 : i32
      %mul3A_62 = arith.constant 200 : i32
      %mul3A_63 = arith.muli %add3A_61, %mul3A_62 : i32
      %add3A_64 = arith.constant 96 : i32
      %add3A_65 = arith.addi %mul3A_63, %add3A_64 : i32
      %mul3A_66 = arith.constant 4 : i32
      %mul3A_67 = arith.muli %add3A_47, %mul3A_66 : i32
      %add3A_68 = arith.constant 1 : i32
      %add3A_69 = arith.addi %mul3A_67, %add3A_68 : i32
      %mul3A_70 = arith.constant 200 : i32
      %mul3A_71 = arith.muli %add3A_69, %mul3A_70 : i32
      %add3A_72 = arith.constant 0 : i32
      %add3A_73 = arith.addi %mul3A_71, %add3A_72 : i32
      %mul3A_74 = arith.constant 4 : i32
      %mul3A_75 = arith.muli %add3A_47, %mul3A_74 : i32
      %add3A_76 = arith.constant 1 : i32
      %add3A_77 = arith.addi %mul3A_75, %add3A_76 : i32
      %mul3A_78 = arith.constant 200 : i32
      %mul3A_79 = arith.muli %add3A_77, %mul3A_78 : i32
      %add3A_80 = arith.constant 96 : i32
      %add3A_81 = arith.addi %mul3A_79, %add3A_80 : i32
      %mul3A_82 = arith.constant 4 : i32
      %mul3A_83 = arith.muli %add3A_47, %mul3A_82 : i32
      %add3A_84 = arith.constant 2 : i32
      %add3A_85 = arith.addi %mul3A_83, %add3A_84 : i32
      %mul3A_86 = arith.constant 200 : i32
      %mul3A_87 = arith.muli %add3A_85, %mul3A_86 : i32
      %add3A_88 = arith.constant 0 : i32
      %add3A_89 = arith.addi %mul3A_87, %add3A_88 : i32
      %mul3A_90 = arith.constant 4 : i32
      %mul3A_91 = arith.muli %add3A_47, %mul3A_90 : i32
      %add3A_92 = arith.constant 2 : i32
      %add3A_93 = arith.addi %mul3A_91, %add3A_92 : i32
      %mul3A_94 = arith.constant 200 : i32
      %mul3A_95 = arith.muli %add3A_93, %mul3A_94 : i32
      %add3A_96 = arith.constant 96 : i32
      %add3A_97 = arith.addi %mul3A_95, %add3A_96 : i32
      %mul3A_98 = arith.constant 4 : i32
      %mul3A_99 = arith.muli %add3A_47, %mul3A_98 : i32
      %add3A_100 = arith.constant 3 : i32
      %add3A_101 = arith.addi %mul3A_99, %add3A_100 : i32
      %mul3A_102 = arith.constant 200 : i32
      %mul3A_103 = arith.muli %add3A_101, %mul3A_102 : i32
      %add3A_104 = arith.constant 0 : i32
      %add3A_105 = arith.addi %mul3A_103, %add3A_104 : i32
      %mul3A_106 = arith.constant 4 : i32
      %mul3A_107 = arith.muli %add3A_47, %mul3A_106 : i32
      %add3A_108 = arith.constant 3 : i32
      %add3A_109 = arith.addi %mul3A_107, %add3A_108 : i32
      %mul3A_110 = arith.constant 200 : i32
      %mul3A_111 = arith.muli %add3A_109, %mul3A_110 : i32
      %add3A_112 = arith.constant 96 : i32
      %add3A_113 = arith.addi %mul3A_111, %add3A_112 : i32
      %dma_start3A = arith.constant 0 : i32
      %dma_start3A_114 = arith.constant 0 : i32
      %dma_start3A_115 = arith.constant 0 : i32
      %dma_start3A_116 = arith.constant 0 : i32
      %dma_start3A_117 = tpu.memref_slice %arg6[%dma_start3A, %dma_start3A_114, %dma_start3A_115, %dma_start3A_116] : memref<2x4x200x32xf32, #tpu.memory_space<vmem>> -> memref<1x1x96x32xf32, #tpu.memory_space<vmem>>
      %dma_start3A_118 = tpu.memref_squeeze %dma_start3A_117 : memref<1x1x96x32xf32, #tpu.memory_space<vmem>> -> memref<96x32xf32, #tpu.memory_space<vmem>>
      %dma_start3A_119 = tpu.memref_slice %arg5[%add3A_57] : memref<12800xi32, #tpu.memory_space<vmem>> -> memref<96xi32, #tpu.memory_space<vmem>>
      %dma_start3A_120 = arith.constant 0 : i32
      %dma_start3A_121 = arith.constant 0 : i32
      %dma_start3A_122 = tpu.memref_slice %arg2[%dma_start3A_120, %dma_start3A_121] : memref<1000000x32xf32, #tpu.memory_space<hbm>> -> memref<1000000x32xf32, #tpu.memory_space<hbm>>
      tpu.enqueue_indirect_dma source(%dma_start3A_122 : memref<1000000x32xf32, #tpu.memory_space<hbm>>) target(%dma_start3A_118 : memref<96x32xf32, #tpu.memory_space<vmem>>) offsets(%dma_start3A_119 : memref<96xi32, #tpu.memory_space<vmem>>) semaphore(%arg7 : memref<!tpu.dma_semaphore, #tpu.memory_space<semaphore_mem>>)
      %dma_start3A_123 = arith.constant 0 : i32
      %dma_start3A_124 = arith.constant 0 : i32
      %dma_start3A_125 = arith.constant 96 : i32
      %dma_start3A_126 = arith.constant 0 : i32
      %dma_start3A_127 = tpu.memref_slice %arg6[%dma_start3A_123, %dma_start3A_124, %dma_start3A_125, %dma_start3A_126] : memref<2x4x200x32xf32, #tpu.memory_space<vmem>> -> memref<1x1x104x32xf32, #tpu.memory_space<vmem>>
      %dma_start3A_128 = tpu.memref_squeeze %dma_start3A_127 : memref<1x1x104x32xf32, #tpu.memory_space<vmem>> -> memref<104x32xf32, #tpu.memory_space<vmem>>
      %dma_start3A_129 = tpu.memref_slice %arg5[%add3A_65] : memref<12800xi32, #tpu.memory_space<vmem>> -> memref<104xi32, #tpu.memory_space<vmem>>
      %dma_start3A_130 = arith.constant 0 : i32
      %dma_start3A_131 = arith.constant 0 : i32
      %dma_start3A_132 = tpu.memref_slice %arg2[%dma_start3A_130, %dma_start3A_131] : memref<1000000x32xf32, #tpu.memory_space<hbm>> -> memref<1000000x32xf32, #tpu.memory_space<hbm>>
      tpu.enqueue_indirect_dma source(%dma_start3A_132 : memref<1000000x32xf32, #tpu.memory_space<hbm>>) target(%dma_start3A_128 : memref<104x32xf32, #tpu.memory_space<vmem>>) offsets(%dma_start3A_129 : memref<104xi32, #tpu.memory_space<vmem>>) semaphore(%arg7 : memref<!tpu.dma_semaphore, #tpu.memory_space<semaphore_mem>>)
      %dma_start3A_133 = arith.constant 0 : i32
      %dma_start3A_134 = arith.constant 1 : i32
      %dma_start3A_135 = arith.constant 0 : i32
      %dma_start3A_136 = arith.constant 0 : i32
      %dma_start3A_137 = tpu.memref_slice %arg6[%dma_start3A_133, %dma_start3A_134, %dma_start3A_135, %dma_start3A_136] : memref<2x4x200x32xf32, #tpu.memory_space<vmem>> -> memref<1x1x96x32xf32, #tpu.memory_space<vmem>>
      %dma_start3A_138 = tpu.memref_squeeze %dma_start3A_137 : memref<1x1x96x32xf32, #tpu.memory_space<vmem>> -> memref<96x32xf32, #tpu.memory_space<vmem>>
      %dma_start3A_139 = tpu.memref_slice %arg5[%add3A_73] : memref<12800xi32, #tpu.memory_space<vmem>> -> memref<96xi32, #tpu.memory_space<vmem>>
      %dma_start3A_140 = arith.constant 0 : i32
      %dma_start3A_141 = arith.constant 0 : i32
      %dma_start3A_142 = tpu.memref_slice %arg2[%dma_start3A_140, %dma_start3A_141] : memref<1000000x32xf32, #tpu.memory_space<hbm>> -> memref<1000000x32xf32, #tpu.memory_space<hbm>>
      tpu.enqueue_indirect_dma source(%dma_start3A_142 : memref<1000000x32xf32, #tpu.memory_space<hbm>>) target(%dma_start3A_138 : memref<96x32xf32, #tpu.memory_space<vmem>>) offsets(%dma_start3A_139 : memref<96xi32, #tpu.memory_space<vmem>>) semaphore(%arg7 : memref<!tpu.dma_semaphore, #tpu.memory_space<semaphore_mem>>)
      %dma_start3A_143 = arith.constant 0 : i32
      %dma_start3A_144 = arith.constant 1 : i32
      %dma_start3A_145 = arith.constant 96 : i32
      %dma_start3A_146 = arith.constant 0 : i32
      %dma_start3A_147 = tpu.memref_slice %arg6[%dma_start3A_143, %dma_start3A_144, %dma_start3A_145, %dma_start3A_146] : memref<2x4x200x32xf32, #tpu.memory_space<vmem>> -> memref<1x1x104x32xf32, #tpu.memory_space<vmem>>
      %dma_start3A_148 = tpu.memref_squeeze %dma_start3A_147 : memref<1x1x104x32xf32, #tpu.memory_space<vmem>> -> memref<104x32xf32, #tpu.memory_space<vmem>>
      %dma_start3A_149 = tpu.memref_slice %arg5[%add3A_81] : memref<12800xi32, #tpu.memory_space<vmem>> -> memref<104xi32, #tpu.memory_space<vmem>>
      %dma_start3A_150 = arith.constant 0 : i32
      %dma_start3A_151 = arith.constant 0 : i32
      %dma_start3A_152 = tpu.memref_slice %arg2[%dma_start3A_150, %dma_start3A_151] : memref<1000000x32xf32, #tpu.memory_space<hbm>> -> memref<1000000x32xf32, #tpu.memory_space<hbm>>
      tpu.enqueue_indirect_dma source(%dma_start3A_152 : memref<1000000x32xf32, #tpu.memory_space<hbm>>) target(%dma_start3A_148 : memref<104x32xf32, #tpu.memory_space<vmem>>) offsets(%dma_start3A_149 : memref<104xi32, #tpu.memory_space<vmem>>) semaphore(%arg7 : memref<!tpu.dma_semaphore, #tpu.memory_space<semaphore_mem>>)
      %dma_start3A_153 = arith.constant 0 : i32
      %dma_start3A_154 = arith.constant 2 : i32
      %dma_start3A_155 = arith.constant 0 : i32
      %dma_start3A_156 = arith.constant 0 : i32
      %dma_start3A_157 = tpu.memref_slice %arg6[%dma_start3A_153, %dma_start3A_154, %dma_start3A_155, %dma_start3A_156] : memref<2x4x200x32xf32, #tpu.memory_space<vmem>> -> memref<1x1x96x32xf32, #tpu.memory_space<vmem>>
      %dma_start3A_158 = tpu.memref_squeeze %dma_start3A_157 : memref<1x1x96x32xf32, #tpu.memory_space<vmem>> -> memref<96x32xf32, #tpu.memory_space<vmem>>
      %dma_start3A_159 = tpu.memref_slice %arg5[%add3A_89] : memref<12800xi32, #tpu.memory_space<vmem>> -> memref<96xi32, #tpu.memory_space<vmem>>
      %dma_start3A_160 = arith.constant 0 : i32
      %dma_start3A_161 = arith.constant 0 : i32
      %dma_start3A_162 = tpu.memref_slice %arg2[%dma_start3A_160, %dma_start3A_161] : memref<1000000x32xf32, #tpu.memory_space<hbm>> -> memref<1000000x32xf32, #tpu.memory_space<hbm>>
      tpu.enqueue_indirect_dma source(%dma_start3A_162 : memref<1000000x32xf32, #tpu.memory_space<hbm>>) target(%dma_start3A_158 : memref<96x32xf32, #tpu.memory_space<vmem>>) offsets(%dma_start3A_159 : memref<96xi32, #tpu.memory_space<vmem>>) semaphore(%arg7 : memref<!tpu.dma_semaphore, #tpu.memory_space<semaphore_mem>>)
      %dma_start3A_163 = arith.constant 0 : i32
      %dma_start3A_164 = arith.constant 2 : i32
      %dma_start3A_165 = arith.constant 96 : i32
      %dma_start3A_166 = arith.constant 0 : i32
      %dma_start3A_167 = tpu.memref_slice %arg6[%dma_start3A_163, %dma_start3A_164, %dma_start3A_165, %dma_start3A_166] : memref<2x4x200x32xf32, #tpu.memory_space<vmem>> -> memref<1x1x104x32xf32, #tpu.memory_space<vmem>>
      %dma_start3A_168 = tpu.memref_squeeze %dma_start3A_167 : memref<1x1x104x32xf32, #tpu.memory_space<vmem>> -> memref<104x32xf32, #tpu.memory_space<vmem>>
      %dma_start3A_169 = tpu.memref_slice %arg5[%add3A_97] : memref<12800xi32, #tpu.memory_space<vmem>> -> memref<104xi32, #tpu.memory_space<vmem>>
      %dma_start3A_170 = arith.constant 0 : i32
      %dma_start3A_171 = arith.constant 0 : i32
      %dma_start3A_172 = tpu.memref_slice %arg2[%dma_start3A_170, %dma_start3A_171] : memref<1000000x32xf32, #tpu.memory_space<hbm>> -> memref<1000000x32xf32, #tpu.memory_space<hbm>>
      tpu.enqueue_indirect_dma source(%dma_start3A_172 : memref<1000000x32xf32, #tpu.memory_space<hbm>>) target(%dma_start3A_168 : memref<104x32xf32, #tpu.memory_space<vmem>>) offsets(%dma_start3A_169 : memref<104xi32, #tpu.memory_space<vmem>>) semaphore(%arg7 : memref<!tpu.dma_semaphore, #tpu.memory_space<semaphore_mem>>)
      %dma_start3A_173 = arith.constant 0 : i32
      %dma_start3A_174 = arith.constant 3 : i32
      %dma_start3A_175 = arith.constant 0 : i32
      %dma_start3A_176 = arith.constant 0 : i32
      %dma_start3A_177 = tpu.memref_slice %arg6[%dma_start3A_173, %dma_start3A_174, %dma_start3A_175, %dma_start3A_176] : memref<2x4x200x32xf32, #tpu.memory_space<vmem>> -> memref<1x1x96x32xf32, #tpu.memory_space<vmem>>
      %dma_start3A_178 = tpu.memref_squeeze %dma_start3A_177 : memref<1x1x96x32xf32, #tpu.memory_space<vmem>> -> memref<96x32xf32, #tpu.memory_space<vmem>>
      %dma_start3A_179 = tpu.memref_slice %arg5[%add3A_105] : memref<12800xi32, #tpu.memory_space<vmem>> -> memref<96xi32, #tpu.memory_space<vmem>>
      %dma_start3A_180 = arith.constant 0 : i32
      %dma_start3A_181 = arith.constant 0 : i32
      %dma_start3A_182 = tpu.memref_slice %arg2[%dma_start3A_180, %dma_start3A_181] : memref<1000000x32xf32, #tpu.memory_space<hbm>> -> memref<1000000x32xf32, #tpu.memory_space<hbm>>
      tpu.enqueue_indirect_dma source(%dma_start3A_182 : memref<1000000x32xf32, #tpu.memory_space<hbm>>) target(%dma_start3A_178 : memref<96x32xf32, #tpu.memory_space<vmem>>) offsets(%dma_start3A_179 : memref<96xi32, #tpu.memory_space<vmem>>) semaphore(%arg7 : memref<!tpu.dma_semaphore, #tpu.memory_space<semaphore_mem>>)
      %dma_start3A_183 = arith.constant 0 : i32
      %dma_start3A_184 = arith.constant 3 : i32
      %dma_start3A_185 = arith.constant 96 : i32
      %dma_start3A_186 = arith.constant 0 : i32
      %dma_start3A_187 = tpu.memref_slice %arg6[%dma_start3A_183, %dma_start3A_184, %dma_start3A_185, %dma_start3A_186] : memref<2x4x200x32xf32, #tpu.memory_space<vmem>> -> memref<1x1x104x32xf32, #tpu.memory_space<vmem>>
      %dma_start3A_188 = tpu.memref_squeeze %dma_start3A_187 : memref<1x1x104x32xf32, #tpu.memory_space<vmem>> -> memref<104x32xf32, #tpu.memory_space<vmem>>
      %dma_start3A_189 = tpu.memref_slice %arg5[%add3A_113] : memref<12800xi32, #tpu.memory_space<vmem>> -> memref<104xi32, #tpu.memory_space<vmem>>
      %dma_start3A_190 = arith.constant 0 : i32
      %dma_start3A_191 = arith.constant 0 : i32
      %dma_start3A_192 = tpu.memref_slice %arg2[%dma_start3A_190, %dma_start3A_191] : memref<1000000x32xf32, #tpu.memory_space<hbm>> -> memref<1000000x32xf32, #tpu.memory_space<hbm>>
      tpu.enqueue_indirect_dma source(%dma_start3A_192 : memref<1000000x32xf32, #tpu.memory_space<hbm>>) target(%dma_start3A_188 : memref<104x32xf32, #tpu.memory_space<vmem>>) offsets(%dma_start3A_189 : memref<104xi32, #tpu.memory_space<vmem>>) semaphore(%arg7 : memref<!tpu.dma_semaphore, #tpu.memory_space<semaphore_mem>>)
      %dma_wait3A_193 = arith.constant 0 : i32
      %dma_wait3A_194 = arith.constant 0 : i32
      %dma_wait3A_195 = arith.constant 0 : i32
      %dma_wait3A_196 = arith.constant 0 : i32
      %dma_wait3A_197 = tpu.memref_slice %arg6[%dma_wait3A_193, %dma_wait3A_194, %dma_wait3A_195, %dma_wait3A_196] : memref<2x4x200x32xf32, #tpu.memory_space<vmem>> -> memref<1x1x96x32xf32, #tpu.memory_space<vmem>>
      %dma_wait3A_198 = tpu.memref_squeeze %dma_wait3A_197 : memref<1x1x96x32xf32, #tpu.memory_space<vmem>> -> memref<96x32xf32, #tpu.memory_space<vmem>>
      %dma_wait3A_199 = tpu.memref_slice %arg5[%add3A_57] : memref<12800xi32, #tpu.memory_space<vmem>> -> memref<96xi32, #tpu.memory_space<vmem>>
      %dma_wait3A_200 = arith.constant 0 : i32
      %dma_wait3A_201 = arith.constant 0 : i32
      %dma_wait3A_202 = tpu.memref_slice %arg2[%dma_wait3A_200, %dma_wait3A_201] : memref<1000000x32xf32, #tpu.memory_space<hbm>> -> memref<1000000x32xf32, #tpu.memory_space<hbm>>
      tpu.wait_indirect_dma semaphore(%arg7 : memref<!tpu.dma_semaphore, #tpu.memory_space<semaphore_mem>>) src(%dma_wait3A_202 : memref<1000000x32xf32, #tpu.memory_space<hbm>>) dst(%dma_wait3A_198 : memref<96x32xf32, #tpu.memory_space<vmem>>)
      %dma_wait3A_203 = arith.constant 0 : i32
      %dma_wait3A_204 = arith.constant 0 : i32
      %dma_wait3A_205 = arith.constant 96 : i32
      %dma_wait3A_206 = arith.constant 0 : i32
      %dma_wait3A_207 = tpu.memref_slice %arg6[%dma_wait3A_203, %dma_wait3A_204, %dma_wait3A_205, %dma_wait3A_206] : memref<2x4x200x32xf32, #tpu.memory_space<vmem>> -> memref<1x1x104x32xf32, #tpu.memory_space<vmem>>
      %dma_wait3A_208 = tpu.memref_squeeze %dma_wait3A_207 : memref<1x1x104x32xf32, #tpu.memory_space<vmem>> -> memref<104x32xf32, #tpu.memory_space<vmem>>
      %dma_wait3A_209 = tpu.memref_slice %arg5[%add3A_65] : memref<12800xi32, #tpu.memory_space<vmem>> -> memref<104xi32, #tpu.memory_space<vmem>>
      %dma_wait3A_210 = arith.constant 0 : i32
      %dma_wait3A_211 = arith.constant 0 : i32
      %dma_wait3A_212 = tpu.memref_slice %arg2[%dma_wait3A_210, %dma_wait3A_211] : memref<1000000x32xf32, #tpu.memory_space<hbm>> -> memref<1000000x32xf32, #tpu.memory_space<hbm>>
      tpu.wait_indirect_dma semaphore(%arg7 : memref<!tpu.dma_semaphore, #tpu.memory_space<semaphore_mem>>) src(%dma_wait3A_212 : memref<1000000x32xf32, #tpu.memory_space<hbm>>) dst(%dma_wait3A_208 : memref<104x32xf32, #tpu.memory_space<vmem>>)
      %dma_wait3A_213 = arith.constant 0 : i32
      %dma_wait3A_214 = arith.constant 1 : i32
      %dma_wait3A_215 = arith.constant 0 : i32
      %dma_wait3A_216 = arith.constant 0 : i32
      %dma_wait3A_217 = tpu.memref_slice %arg6[%dma_wait3A_213, %dma_wait3A_214, %dma_wait3A_215, %dma_wait3A_216] : memref<2x4x200x32xf32, #tpu.memory_space<vmem>> -> memref<1x1x96x32xf32, #tpu.memory_space<vmem>>
      %dma_wait3A_218 = tpu.memref_squeeze %dma_wait3A_217 : memref<1x1x96x32xf32, #tpu.memory_space<vmem>> -> memref<96x32xf32, #tpu.memory_space<vmem>>
      %dma_wait3A_219 = tpu.memref_slice %arg5[%add3A_73] : memref<12800xi32, #tpu.memory_space<vmem>> -> memref<96xi32, #tpu.memory_space<vmem>>
      %dma_wait3A_220 = arith.constant 0 : i32
      %dma_wait3A_221 = arith.constant 0 : i32
      %dma_wait3A_222 = tpu.memref_slice %arg2[%dma_wait3A_220, %dma_wait3A_221] : memref<1000000x32xf32, #tpu.memory_space<hbm>> -> memref<1000000x32xf32, #tpu.memory_space<hbm>>
      tpu.wait_indirect_dma semaphore(%arg7 : memref<!tpu.dma_semaphore, #tpu.memory_space<semaphore_mem>>) src(%dma_wait3A_222 : memref<1000000x32xf32, #tpu.memory_space<hbm>>) dst(%dma_wait3A_218 : memref<96x32xf32, #tpu.memory_space<vmem>>)
      %dma_wait3A_223 = arith.constant 0 : i32
      %dma_wait3A_224 = arith.constant 1 : i32
      %dma_wait3A_225 = arith.constant 96 : i32
      %dma_wait3A_226 = arith.constant 0 : i32
      %dma_wait3A_227 = tpu.memref_slice %arg6[%dma_wait3A_223, %dma_wait3A_224, %dma_wait3A_225, %dma_wait3A_226] : memref<2x4x200x32xf32, #tpu.memory_space<vmem>> -> memref<1x1x104x32xf32, #tpu.memory_space<vmem>>
      %dma_wait3A_228 = tpu.memref_squeeze %dma_wait3A_227 : memref<1x1x104x32xf32, #tpu.memory_space<vmem>> -> memref<104x32xf32, #tpu.memory_space<vmem>>
      %dma_wait3A_229 = tpu.memref_slice %arg5[%add3A_81] : memref<12800xi32, #tpu.memory_space<vmem>> -> memref<104xi32, #tpu.memory_space<vmem>>
      %dma_wait3A_230 = arith.constant 0 : i32
      %dma_wait3A_231 = arith.constant 0 : i32
      %dma_wait3A_232 = tpu.memref_slice %arg2[%dma_wait3A_230, %dma_wait3A_231] : memref<1000000x32xf32, #tpu.memory_space<hbm>> -> memref<1000000x32xf32, #tpu.memory_space<hbm>>
      tpu.wait_indirect_dma semaphore(%arg7 : memref<!tpu.dma_semaphore, #tpu.memory_space<semaphore_mem>>) src(%dma_wait3A_232 : memref<1000000x32xf32, #tpu.memory_space<hbm>>) dst(%dma_wait3A_228 : memref<104x32xf32, #tpu.memory_space<vmem>>)
      %dma_wait3A_233 = arith.constant 0 : i32
      %dma_wait3A_234 = arith.constant 2 : i32
      %dma_wait3A_235 = arith.constant 0 : i32
      %dma_wait3A_236 = arith.constant 0 : i32
      %dma_wait3A_237 = tpu.memref_slice %arg6[%dma_wait3A_233, %dma_wait3A_234, %dma_wait3A_235, %dma_wait3A_236] : memref<2x4x200x32xf32, #tpu.memory_space<vmem>> -> memref<1x1x96x32xf32, #tpu.memory_space<vmem>>
      %dma_wait3A_238 = tpu.memref_squeeze %dma_wait3A_237 : memref<1x1x96x32xf32, #tpu.memory_space<vmem>> -> memref<96x32xf32, #tpu.memory_space<vmem>>
      %dma_wait3A_239 = tpu.memref_slice %arg5[%add3A_89] : memref<12800xi32, #tpu.memory_space<vmem>> -> memref<96xi32, #tpu.memory_space<vmem>>
      %dma_wait3A_240 = arith.constant 0 : i32
      %dma_wait3A_241 = arith.constant 0 : i32
      %dma_wait3A_242 = tpu.memref_slice %arg2[%dma_wait3A_240, %dma_wait3A_241] : memref<1000000x32xf32, #tpu.memory_space<hbm>> -> memref<1000000x32xf32, #tpu.memory_space<hbm>>
      tpu.wait_indirect_dma semaphore(%arg7 : memref<!tpu.dma_semaphore, #tpu.memory_space<semaphore_mem>>) src(%dma_wait3A_242 : memref<1000000x32xf32, #tpu.memory_space<hbm>>) dst(%dma_wait3A_238 : memref<96x32xf32, #tpu.memory_space<vmem>>)
      %dma_wait3A_243 = arith.constant 0 : i32
      %dma_wait3A_244 = arith.constant 2 : i32
      %dma_wait3A_245 = arith.constant 96 : i32
      %dma_wait3A_246 = arith.constant 0 : i32
      %dma_wait3A_247 = tpu.memref_slice %arg6[%dma_wait3A_243, %dma_wait3A_244, %dma_wait3A_245, %dma_wait3A_246] : memref<2x4x200x32xf32, #tpu.memory_space<vmem>> -> memref<1x1x104x32xf32, #tpu.memory_space<vmem>>
      %dma_wait3A_248 = tpu.memref_squeeze %dma_wait3A_247 : memref<1x1x104x32xf32, #tpu.memory_space<vmem>> -> memref<104x32xf32, #tpu.memory_space<vmem>>
      %dma_wait3A_249 = tpu.memref_slice %arg5[%add3A_97] : memref<12800xi32, #tpu.memory_space<vmem>> -> memref<104xi32, #tpu.memory_space<vmem>>
      %dma_wait3A_250 = arith.constant 0 : i32
      %dma_wait3A_251 = arith.constant 0 : i32
      %dma_wait3A_252 = tpu.memref_slice %arg2[%dma_wait3A_250, %dma_wait3A_251] : memref<1000000x32xf32, #tpu.memory_space<hbm>> -> memref<1000000x32xf32, #tpu.memory_space<hbm>>
      tpu.wait_indirect_dma semaphore(%arg7 : memref<!tpu.dma_semaphore, #tpu.memory_space<semaphore_mem>>) src(%dma_wait3A_252 : memref<1000000x32xf32, #tpu.memory_space<hbm>>) dst(%dma_wait3A_248 : memref<104x32xf32, #tpu.memory_space<vmem>>)
      %dma_wait3A_253 = arith.constant 0 : i32
      %dma_wait3A_254 = arith.constant 3 : i32
      %dma_wait3A_255 = arith.constant 0 : i32
      %dma_wait3A_256 = arith.constant 0 : i32
      %dma_wait3A_257 = tpu.memref_slice %arg6[%dma_wait3A_253, %dma_wait3A_254, %dma_wait3A_255, %dma_wait3A_256] : memref<2x4x200x32xf32, #tpu.memory_space<vmem>> -> memref<1x1x96x32xf32, #tpu.memory_space<vmem>>
      %dma_wait3A_258 = tpu.memref_squeeze %dma_wait3A_257 : memref<1x1x96x32xf32, #tpu.memory_space<vmem>> -> memref<96x32xf32, #tpu.memory_space<vmem>>
      %dma_wait3A_259 = tpu.memref_slice %arg5[%add3A_105] : memref<12800xi32, #tpu.memory_space<vmem>> -> memref<96xi32, #tpu.memory_space<vmem>>
      %dma_wait3A_260 = arith.constant 0 : i32
      %dma_wait3A_261 = arith.constant 0 : i32
      %dma_wait3A_262 = tpu.memref_slice %arg2[%dma_wait3A_260, %dma_wait3A_261] : memref<1000000x32xf32, #tpu.memory_space<hbm>> -> memref<1000000x32xf32, #tpu.memory_space<hbm>>
      tpu.wait_indirect_dma semaphore(%arg7 : memref<!tpu.dma_semaphore, #tpu.memory_space<semaphore_mem>>) src(%dma_wait3A_262 : memref<1000000x32xf32, #tpu.memory_space<hbm>>) dst(%dma_wait3A_258 : memref<96x32xf32, #tpu.memory_space<vmem>>)
      %dma_wait3A_263 = arith.constant 0 : i32
      %dma_wait3A_264 = arith.constant 3 : i32
      %dma_wait3A_265 = arith.constant 96 : i32
      %dma_wait3A_266 = arith.constant 0 : i32
      %dma_wait3A_267 = tpu.memref_slice %arg6[%dma_wait3A_263, %dma_wait3A_264, %dma_wait3A_265, %dma_wait3A_266] : memref<2x4x200x32xf32, #tpu.memory_space<vmem>> -> memref<1x1x104x32xf32, #tpu.memory_space<vmem>>
      %dma_wait3A_268 = tpu.memref_squeeze %dma_wait3A_267 : memref<1x1x104x32xf32, #tpu.memory_space<vmem>> -> memref<104x32xf32, #tpu.memory_space<vmem>>
      %dma_wait3A_269 = tpu.memref_slice %arg5[%add3A_113] : memref<12800xi32, #tpu.memory_space<vmem>> -> memref<104xi32, #tpu.memory_space<vmem>>
      %dma_wait3A_270 = arith.constant 0 : i32
      %dma_wait3A_271 = arith.constant 0 : i32
      %dma_wait3A_272 = tpu.memref_slice %arg2[%dma_wait3A_270, %dma_wait3A_271] : memref<1000000x32xf32, #tpu.memory_space<hbm>> -> memref<1000000x32xf32, #tpu.memory_space<hbm>>
      tpu.wait_indirect_dma semaphore(%arg7 : memref<!tpu.dma_semaphore, #tpu.memory_space<semaphore_mem>>) src(%dma_wait3A_272 : memref<1000000x32xf32, #tpu.memory_space<hbm>>) dst(%dma_wait3A_268 : memref<104x32xf32, #tpu.memory_space<vmem>>)
      %mul3A_273 = arith.constant 4 : i32
      %mul3A_274 = arith.muli %add3A_47, %mul3A_273 : i32
      %add3A_275 = arith.addi %mul3A_2, %mul3A_274 : i32
      %dma_start3A_276 = arith.constant 0 : i32
      %dma_start3A_277 = arith.constant 0 : i32
      %dma_start3A_278 = arith.constant 0 : i32
      %dma_start3A_279 = arith.constant 0 : i32
      %dma_start3A_280 = tpu.memref_slice %arg6[%dma_start3A_276, %dma_start3A_277, %dma_start3A_278, %dma_start3A_279] : memref<2x4x200x32xf32, #tpu.memory_space<vmem>> -> memref<1x4x200x32xf32, #tpu.memory_space<vmem>>
      %dma_start3A_281 = tpu.memref_squeeze %dma_start3A_280 : memref<1x4x200x32xf32, #tpu.memory_space<vmem>> -> memref<4x200x32xf32, #tpu.memory_space<vmem>>
      %dma_start3A_282 = arith.constant 0 : i32
      %dma_start3A_283 = arith.constant 0 : i32
      %dma_start3A_284 = tpu.memref_slice %arg4[%add3A_275, %dma_start3A_282, %dma_start3A_283] : memref<2048x200x32xf32, #tpu.memory_space<hbm>> -> memref<4x200x32xf32, #tpu.memory_space<hbm>>
      %dma_start3A_285 = arith.constant 0 : i32
      %dma_start3A_286 = arith.constant 0 : i32
      %dma_start3A_287 = tpu.memref_slice %arg4[%add3A_275, %dma_start3A_285, %dma_start3A_286] : memref<2048x200x32xf32, #tpu.memory_space<hbm>> -> memref<4x200x32xf32, #tpu.memory_space<hbm>>
      %dma_start3A_288 = arith.constant 0 : i32
      %dma_start3A_289 = arith.constant 0 : i32
      %dma_start3A_290 = arith.constant 0 : i32
      %dma_start3A_291 = tpu.memref_slice %arg6[%dma_start3A_276, %dma_start3A_288, %dma_start3A_289, %dma_start3A_290] : memref<2x4x200x32xf32, #tpu.memory_space<vmem>> -> memref<1x4x200x32xf32, #tpu.memory_space<vmem>>
      %dma_start3A_292 = tpu.memref_squeeze %dma_start3A_291 : memref<1x4x200x32xf32, #tpu.memory_space<vmem>> -> memref<4x200x32xf32, #tpu.memory_space<vmem>>
      tpu.enqueue_dma source(%dma_start3A_292 : memref<4x200x32xf32, #tpu.memory_space<vmem>>) target(%dma_start3A_287 : memref<4x200x32xf32, #tpu.memory_space<hbm>>) target_semaphore(%arg8 : memref<!tpu.dma_semaphore, #tpu.memory_space<semaphore_mem>>)
      %mul3A_293 = arith.constant 2 : i32
      %mul3A_294 = arith.muli %scan3A_43, %mul3A_293 : i32
      %add3A_295 = arith.constant 1 : i32
      %add3A_296 = arith.addi %mul3A_294, %add3A_295 : i32
      %ge3A_297 = arith.constant 2 : i32
      %ge3A_298 = arith.cmpi sge, %add3A_296, %ge3A_297 : i32
      %convert_element_type3A_299 = arith.extui %ge3A_298 : i1 to i32
      %cond3A_300 = arith.constant 0 : i32
      %cond3A_301 = arith.cmpi ne, %convert_element_type3A_299, %cond3A_300 : i32
      scf.if %cond3A_301 {
        %dma_wait3A_546 = arith.constant 1 : i32
        %dma_wait3A_547 = arith.constant 0 : i32
        %dma_wait3A_548 = arith.constant 0 : i32
        %dma_wait3A_549 = arith.constant 0 : i32
        %dma_wait3A_550 = tpu.memref_slice %arg6[%dma_wait3A_546, %dma_wait3A_547, %dma_wait3A_548, %dma_wait3A_549] : memref<2x4x200x32xf32, #tpu.memory_space<vmem>> -> memref<1x4x200x32xf32, #tpu.memory_space<vmem>>
        %dma_wait3A_551 = tpu.memref_squeeze %dma_wait3A_550 : memref<1x4x200x32xf32, #tpu.memory_space<vmem>> -> memref<4x200x32xf32, #tpu.memory_space<vmem>>
        %dma_wait3A_552 = arith.constant 0 : i32
        %dma_wait3A_553 = arith.constant 0 : i32
        %dma_wait3A_554 = tpu.memref_slice %arg4[%mul3A_2, %dma_wait3A_552, %dma_wait3A_553] : memref<2048x200x32xf32, #tpu.memory_space<hbm>> -> memref<4x200x32xf32, #tpu.memory_space<hbm>>
        %dma_wait3A_555 = arith.constant 0 : i32
        %dma_wait3A_556 = arith.constant 0 : i32
        %dma_wait3A_557 = tpu.memref_slice %arg4[%mul3A_2, %dma_wait3A_555, %dma_wait3A_556] : memref<2048x200x32xf32, #tpu.memory_space<hbm>> -> memref<4x200x32xf32, #tpu.memory_space<hbm>>
        %dma_wait3A_558 = arith.constant 0 : i32
        %dma_wait3A_559 = arith.constant 0 : i32
        %dma_wait3A_560 = arith.constant 0 : i32
        %dma_wait3A_561 = tpu.memref_slice %arg6[%dma_wait3A_546, %dma_wait3A_558, %dma_wait3A_559, %dma_wait3A_560] : memref<2x4x200x32xf32, #tpu.memory_space<vmem>> -> memref<1x4x200x32xf32, #tpu.memory_space<vmem>>
        %dma_wait3A_562 = tpu.memref_squeeze %dma_wait3A_561 : memref<1x4x200x32xf32, #tpu.memory_space<vmem>> -> memref<4x200x32xf32, #tpu.memory_space<vmem>>
        tpu.wait_dma2 semaphore(%arg8 : memref<!tpu.dma_semaphore, #tpu.memory_space<semaphore_mem>>) src(%dma_wait3A_562 : memref<4x200x32xf32, #tpu.memory_space<vmem>>) dst(%dma_wait3A_557 : memref<4x200x32xf32, #tpu.memory_space<hbm>>)
      } else {
      }
      %mul3A_302 = arith.constant 4 : i32
      %mul3A_303 = arith.muli %add3A_296, %mul3A_302 : i32
      %add3A_304 = arith.constant 0 : i32
      %add3A_305 = arith.addi %mul3A_303, %add3A_304 : i32
      %mul3A_306 = arith.constant 200 : i32
      %mul3A_307 = arith.muli %add3A_305, %mul3A_306 : i32
      %add3A_308 = arith.constant 0 : i32
      %add3A_309 = arith.addi %mul3A_307, %add3A_308 : i32
      %mul3A_310 = arith.constant 4 : i32
      %mul3A_311 = arith.muli %add3A_296, %mul3A_310 : i32
      %add3A_312 = arith.constant 0 : i32
      %add3A_313 = arith.addi %mul3A_311, %add3A_312 : i32
      %mul3A_314 = arith.constant 200 : i32
      %mul3A_315 = arith.muli %add3A_313, %mul3A_314 : i32
      %add3A_316 = arith.constant 96 : i32
      %add3A_317 = arith.addi %mul3A_315, %add3A_316 : i32
      %mul3A_318 = arith.constant 4 : i32
      %mul3A_319 = arith.muli %add3A_296, %mul3A_318 : i32
      %add3A_320 = arith.constant 1 : i32
      %add3A_321 = arith.addi %mul3A_319, %add3A_320 : i32
      %mul3A_322 = arith.constant 200 : i32
      %mul3A_323 = arith.muli %add3A_321, %mul3A_322 : i32
      %add3A_324 = arith.constant 0 : i32
      %add3A_325 = arith.addi %mul3A_323, %add3A_324 : i32
      %mul3A_326 = arith.constant 4 : i32
      %mul3A_327 = arith.muli %add3A_296, %mul3A_326 : i32
      %add3A_328 = arith.constant 1 : i32
      %add3A_329 = arith.addi %mul3A_327, %add3A_328 : i32
      %mul3A_330 = arith.constant 200 : i32
      %mul3A_331 = arith.muli %add3A_329, %mul3A_330 : i32
      %add3A_332 = arith.constant 96 : i32
      %add3A_333 = arith.addi %mul3A_331, %add3A_332 : i32
      %mul3A_334 = arith.constant 4 : i32
      %mul3A_335 = arith.muli %add3A_296, %mul3A_334 : i32
      %add3A_336 = arith.constant 2 : i32
      %add3A_337 = arith.addi %mul3A_335, %add3A_336 : i32
      %mul3A_338 = arith.constant 200 : i32
      %mul3A_339 = arith.muli %add3A_337, %mul3A_338 : i32
      %add3A_340 = arith.constant 0 : i32
      %add3A_341 = arith.addi %mul3A_339, %add3A_340 : i32
      %mul3A_342 = arith.constant 4 : i32
      %mul3A_343 = arith.muli %add3A_296, %mul3A_342 : i32
      %add3A_344 = arith.constant 2 : i32
      %add3A_345 = arith.addi %mul3A_343, %add3A_344 : i32
      %mul3A_346 = arith.constant 200 : i32
      %mul3A_347 = arith.muli %add3A_345, %mul3A_346 : i32
      %add3A_348 = arith.constant 96 : i32
      %add3A_349 = arith.addi %mul3A_347, %add3A_348 : i32
      %mul3A_350 = arith.constant 4 : i32
      %mul3A_351 = arith.muli %add3A_296, %mul3A_350 : i32
      %add3A_352 = arith.constant 3 : i32
      %add3A_353 = arith.addi %mul3A_351, %add3A_352 : i32
      %mul3A_354 = arith.constant 200 : i32
      %mul3A_355 = arith.muli %add3A_353, %mul3A_354 : i32
      %add3A_356 = arith.constant 0 : i32
      %add3A_357 = arith.addi %mul3A_355, %add3A_356 : i32
      %mul3A_358 = arith.constant 4 : i32
      %mul3A_359 = arith.muli %add3A_296, %mul3A_358 : i32
      %add3A_360 = arith.constant 3 : i32
      %add3A_361 = arith.addi %mul3A_359, %add3A_360 : i32
      %mul3A_362 = arith.constant 200 : i32
      %mul3A_363 = arith.muli %add3A_361, %mul3A_362 : i32
      %add3A_364 = arith.constant 96 : i32
      %add3A_365 = arith.addi %mul3A_363, %add3A_364 : i32
      %dma_start3A_366 = arith.constant 1 : i32
      %dma_start3A_367 = arith.constant 0 : i32
      %dma_start3A_368 = arith.constant 0 : i32
      %dma_start3A_369 = arith.constant 0 : i32
      %dma_start3A_370 = tpu.memref_slice %arg6[%dma_start3A_366, %dma_start3A_367, %dma_start3A_368, %dma_start3A_369] : memref<2x4x200x32xf32, #tpu.memory_space<vmem>> -> memref<1x1x96x32xf32, #tpu.memory_space<vmem>>
      %dma_start3A_371 = tpu.memref_squeeze %dma_start3A_370 : memref<1x1x96x32xf32, #tpu.memory_space<vmem>> -> memref<96x32xf32, #tpu.memory_space<vmem>>
      %dma_start3A_372 = tpu.memref_slice %arg5[%add3A_309] : memref<12800xi32, #tpu.memory_space<vmem>> -> memref<96xi32, #tpu.memory_space<vmem>>
      %dma_start3A_373 = arith.constant 0 : i32
      %dma_start3A_374 = arith.constant 0 : i32
      %dma_start3A_375 = tpu.memref_slice %arg2[%dma_start3A_373, %dma_start3A_374] : memref<1000000x32xf32, #tpu.memory_space<hbm>> -> memref<1000000x32xf32, #tpu.memory_space<hbm>>
      tpu.enqueue_indirect_dma source(%dma_start3A_375 : memref<1000000x32xf32, #tpu.memory_space<hbm>>) target(%dma_start3A_371 : memref<96x32xf32, #tpu.memory_space<vmem>>) offsets(%dma_start3A_372 : memref<96xi32, #tpu.memory_space<vmem>>) semaphore(%arg7 : memref<!tpu.dma_semaphore, #tpu.memory_space<semaphore_mem>>)
      %dma_start3A_376 = arith.constant 1 : i32
      %dma_start3A_377 = arith.constant 0 : i32
      %dma_start3A_378 = arith.constant 96 : i32
      %dma_start3A_379 = arith.constant 0 : i32
      %dma_start3A_380 = tpu.memref_slice %arg6[%dma_start3A_376, %dma_start3A_377, %dma_start3A_378, %dma_start3A_379] : memref<2x4x200x32xf32, #tpu.memory_space<vmem>> -> memref<1x1x104x32xf32, #tpu.memory_space<vmem>>
      %dma_start3A_381 = tpu.memref_squeeze %dma_start3A_380 : memref<1x1x104x32xf32, #tpu.memory_space<vmem>> -> memref<104x32xf32, #tpu.memory_space<vmem>>
      %dma_start3A_382 = tpu.memref_slice %arg5[%add3A_317] : memref<12800xi32, #tpu.memory_space<vmem>> -> memref<104xi32, #tpu.memory_space<vmem>>
      %dma_start3A_383 = arith.constant 0 : i32
      %dma_start3A_384 = arith.constant 0 : i32
      %dma_start3A_385 = tpu.memref_slice %arg2[%dma_start3A_383, %dma_start3A_384] : memref<1000000x32xf32, #tpu.memory_space<hbm>> -> memref<1000000x32xf32, #tpu.memory_space<hbm>>
      tpu.enqueue_indirect_dma source(%dma_start3A_385 : memref<1000000x32xf32, #tpu.memory_space<hbm>>) target(%dma_start3A_381 : memref<104x32xf32, #tpu.memory_space<vmem>>) offsets(%dma_start3A_382 : memref<104xi32, #tpu.memory_space<vmem>>) semaphore(%arg7 : memref<!tpu.dma_semaphore, #tpu.memory_space<semaphore_mem>>)
      %dma_start3A_386 = arith.constant 1 : i32
      %dma_start3A_387 = arith.constant 1 : i32
      %dma_start3A_388 = arith.constant 0 : i32
      %dma_start3A_389 = arith.constant 0 : i32
      %dma_start3A_390 = tpu.memref_slice %arg6[%dma_start3A_386, %dma_start3A_387, %dma_start3A_388, %dma_start3A_389] : memref<2x4x200x32xf32, #tpu.memory_space<vmem>> -> memref<1x1x96x32xf32, #tpu.memory_space<vmem>>
      %dma_start3A_391 = tpu.memref_squeeze %dma_start3A_390 : memref<1x1x96x32xf32, #tpu.memory_space<vmem>> -> memref<96x32xf32, #tpu.memory_space<vmem>>
      %dma_start3A_392 = tpu.memref_slice %arg5[%add3A_325] : memref<12800xi32, #tpu.memory_space<vmem>> -> memref<96xi32, #tpu.memory_space<vmem>>
      %dma_start3A_393 = arith.constant 0 : i32
      %dma_start3A_394 = arith.constant 0 : i32
      %dma_start3A_395 = tpu.memref_slice %arg2[%dma_start3A_393, %dma_start3A_394] : memref<1000000x32xf32, #tpu.memory_space<hbm>> -> memref<1000000x32xf32, #tpu.memory_space<hbm>>
      tpu.enqueue_indirect_dma source(%dma_start3A_395 : memref<1000000x32xf32, #tpu.memory_space<hbm>>) target(%dma_start3A_391 : memref<96x32xf32, #tpu.memory_space<vmem>>) offsets(%dma_start3A_392 : memref<96xi32, #tpu.memory_space<vmem>>) semaphore(%arg7 : memref<!tpu.dma_semaphore, #tpu.memory_space<semaphore_mem>>)
      %dma_start3A_396 = arith.constant 1 : i32
      %dma_start3A_397 = arith.constant 1 : i32
      %dma_start3A_398 = arith.constant 96 : i32
      %dma_start3A_399 = arith.constant 0 : i32
      %dma_start3A_400 = tpu.memref_slice %arg6[%dma_start3A_396, %dma_start3A_397, %dma_start3A_398, %dma_start3A_399] : memref<2x4x200x32xf32, #tpu.memory_space<vmem>> -> memref<1x1x104x32xf32, #tpu.memory_space<vmem>>
      %dma_start3A_401 = tpu.memref_squeeze %dma_start3A_400 : memref<1x1x104x32xf32, #tpu.memory_space<vmem>> -> memref<104x32xf32, #tpu.memory_space<vmem>>
      %dma_start3A_402 = tpu.memref_slice %arg5[%add3A_333] : memref<12800xi32, #tpu.memory_space<vmem>> -> memref<104xi32, #tpu.memory_space<vmem>>
      %dma_start3A_403 = arith.constant 0 : i32
      %dma_start3A_404 = arith.constant 0 : i32
      %dma_start3A_405 = tpu.memref_slice %arg2[%dma_start3A_403, %dma_start3A_404] : memref<1000000x32xf32, #tpu.memory_space<hbm>> -> memref<1000000x32xf32, #tpu.memory_space<hbm>>
      tpu.enqueue_indirect_dma source(%dma_start3A_405 : memref<1000000x32xf32, #tpu.memory_space<hbm>>) target(%dma_start3A_401 : memref<104x32xf32, #tpu.memory_space<vmem>>) offsets(%dma_start3A_402 : memref<104xi32, #tpu.memory_space<vmem>>) semaphore(%arg7 : memref<!tpu.dma_semaphore, #tpu.memory_space<semaphore_mem>>)
      %dma_start3A_406 = arith.constant 1 : i32
      %dma_start3A_407 = arith.constant 2 : i32
      %dma_start3A_408 = arith.constant 0 : i32
      %dma_start3A_409 = arith.constant 0 : i32
      %dma_start3A_410 = tpu.memref_slice %arg6[%dma_start3A_406, %dma_start3A_407, %dma_start3A_408, %dma_start3A_409] : memref<2x4x200x32xf32, #tpu.memory_space<vmem>> -> memref<1x1x96x32xf32, #tpu.memory_space<vmem>>
      %dma_start3A_411 = tpu.memref_squeeze %dma_start3A_410 : memref<1x1x96x32xf32, #tpu.memory_space<vmem>> -> memref<96x32xf32, #tpu.memory_space<vmem>>
      %dma_start3A_412 = tpu.memref_slice %arg5[%add3A_341] : memref<12800xi32, #tpu.memory_space<vmem>> -> memref<96xi32, #tpu.memory_space<vmem>>
      %dma_start3A_413 = arith.constant 0 : i32
      %dma_start3A_414 = arith.constant 0 : i32
      %dma_start3A_415 = tpu.memref_slice %arg2[%dma_start3A_413, %dma_start3A_414] : memref<1000000x32xf32, #tpu.memory_space<hbm>> -> memref<1000000x32xf32, #tpu.memory_space<hbm>>
      tpu.enqueue_indirect_dma source(%dma_start3A_415 : memref<1000000x32xf32, #tpu.memory_space<hbm>>) target(%dma_start3A_411 : memref<96x32xf32, #tpu.memory_space<vmem>>) offsets(%dma_start3A_412 : memref<96xi32, #tpu.memory_space<vmem>>) semaphore(%arg7 : memref<!tpu.dma_semaphore, #tpu.memory_space<semaphore_mem>>)
      %dma_start3A_416 = arith.constant 1 : i32
      %dma_start3A_417 = arith.constant 2 : i32
      %dma_start3A_418 = arith.constant 96 : i32
      %dma_start3A_419 = arith.constant 0 : i32
      %dma_start3A_420 = tpu.memref_slice %arg6[%dma_start3A_416, %dma_start3A_417, %dma_start3A_418, %dma_start3A_419] : memref<2x4x200x32xf32, #tpu.memory_space<vmem>> -> memref<1x1x104x32xf32, #tpu.memory_space<vmem>>
      %dma_start3A_421 = tpu.memref_squeeze %dma_start3A_420 : memref<1x1x104x32xf32, #tpu.memory_space<vmem>> -> memref<104x32xf32, #tpu.memory_space<vmem>>
      %dma_start3A_422 = tpu.memref_slice %arg5[%add3A_349] : memref<12800xi32, #tpu.memory_space<vmem>> -> memref<104xi32, #tpu.memory_space<vmem>>
      %dma_start3A_423 = arith.constant 0 : i32
      %dma_start3A_424 = arith.constant 0 : i32
      %dma_start3A_425 = tpu.memref_slice %arg2[%dma_start3A_423, %dma_start3A_424] : memref<1000000x32xf32, #tpu.memory_space<hbm>> -> memref<1000000x32xf32, #tpu.memory_space<hbm>>
      tpu.enqueue_indirect_dma source(%dma_start3A_425 : memref<1000000x32xf32, #tpu.memory_space<hbm>>) target(%dma_start3A_421 : memref<104x32xf32, #tpu.memory_space<vmem>>) offsets(%dma_start3A_422 : memref<104xi32, #tpu.memory_space<vmem>>) semaphore(%arg7 : memref<!tpu.dma_semaphore, #tpu.memory_space<semaphore_mem>>)
      %dma_start3A_426 = arith.constant 1 : i32
      %dma_start3A_427 = arith.constant 3 : i32
      %dma_start3A_428 = arith.constant 0 : i32
      %dma_start3A_429 = arith.constant 0 : i32
      %dma_start3A_430 = tpu.memref_slice %arg6[%dma_start3A_426, %dma_start3A_427, %dma_start3A_428, %dma_start3A_429] : memref<2x4x200x32xf32, #tpu.memory_space<vmem>> -> memref<1x1x96x32xf32, #tpu.memory_space<vmem>>
      %dma_start3A_431 = tpu.memref_squeeze %dma_start3A_430 : memref<1x1x96x32xf32, #tpu.memory_space<vmem>> -> memref<96x32xf32, #tpu.memory_space<vmem>>
      %dma_start3A_432 = tpu.memref_slice %arg5[%add3A_357] : memref<12800xi32, #tpu.memory_space<vmem>> -> memref<96xi32, #tpu.memory_space<vmem>>
      %dma_start3A_433 = arith.constant 0 : i32
      %dma_start3A_434 = arith.constant 0 : i32
      %dma_start3A_435 = tpu.memref_slice %arg2[%dma_start3A_433, %dma_start3A_434] : memref<1000000x32xf32, #tpu.memory_space<hbm>> -> memref<1000000x32xf32, #tpu.memory_space<hbm>>
      tpu.enqueue_indirect_dma source(%dma_start3A_435 : memref<1000000x32xf32, #tpu.memory_space<hbm>>) target(%dma_start3A_431 : memref<96x32xf32, #tpu.memory_space<vmem>>) offsets(%dma_start3A_432 : memref<96xi32, #tpu.memory_space<vmem>>) semaphore(%arg7 : memref<!tpu.dma_semaphore, #tpu.memory_space<semaphore_mem>>)
      %dma_start3A_436 = arith.constant 1 : i32
      %dma_start3A_437 = arith.constant 3 : i32
      %dma_start3A_438 = arith.constant 96 : i32
      %dma_start3A_439 = arith.constant 0 : i32
      %dma_start3A_440 = tpu.memref_slice %arg6[%dma_start3A_436, %dma_start3A_437, %dma_start3A_438, %dma_start3A_439] : memref<2x4x200x32xf32, #tpu.memory_space<vmem>> -> memref<1x1x104x32xf32, #tpu.memory_space<vmem>>
      %dma_start3A_441 = tpu.memref_squeeze %dma_start3A_440 : memref<1x1x104x32xf32, #tpu.memory_space<vmem>> -> memref<104x32xf32, #tpu.memory_space<vmem>>
      %dma_start3A_442 = tpu.memref_slice %arg5[%add3A_365] : memref<12800xi32, #tpu.memory_space<vmem>> -> memref<104xi32, #tpu.memory_space<vmem>>
      %dma_start3A_443 = arith.constant 0 : i32
      %dma_start3A_444 = arith.constant 0 : i32
      %dma_start3A_445 = tpu.memref_slice %arg2[%dma_start3A_443, %dma_start3A_444] : memref<1000000x32xf32, #tpu.memory_space<hbm>> -> memref<1000000x32xf32, #tpu.memory_space<hbm>>
      tpu.enqueue_indirect_dma source(%dma_start3A_445 : memref<1000000x32xf32, #tpu.memory_space<hbm>>) target(%dma_start3A_441 : memref<104x32xf32, #tpu.memory_space<vmem>>) offsets(%dma_start3A_442 : memref<104xi32, #tpu.memory_space<vmem>>) semaphore(%arg7 : memref<!tpu.dma_semaphore, #tpu.memory_space<semaphore_mem>>)
      %dma_wait3A_446 = arith.constant 1 : i32
      %dma_wait3A_447 = arith.constant 0 : i32
      %dma_wait3A_448 = arith.constant 0 : i32
      %dma_wait3A_449 = arith.constant 0 : i32
      %dma_wait3A_450 = tpu.memref_slice %arg6[%dma_wait3A_446, %dma_wait3A_447, %dma_wait3A_448, %dma_wait3A_449] : memref<2x4x200x32xf32, #tpu.memory_space<vmem>> -> memref<1x1x96x32xf32, #tpu.memory_space<vmem>>
      %dma_wait3A_451 = tpu.memref_squeeze %dma_wait3A_450 : memref<1x1x96x32xf32, #tpu.memory_space<vmem>> -> memref<96x32xf32, #tpu.memory_space<vmem>>
      %dma_wait3A_452 = tpu.memref_slice %arg5[%add3A_309] : memref<12800xi32, #tpu.memory_space<vmem>> -> memref<96xi32, #tpu.memory_space<vmem>>
      %dma_wait3A_453 = arith.constant 0 : i32
      %dma_wait3A_454 = arith.constant 0 : i32
      %dma_wait3A_455 = tpu.memref_slice %arg2[%dma_wait3A_453, %dma_wait3A_454] : memref<1000000x32xf32, #tpu.memory_space<hbm>> -> memref<1000000x32xf32, #tpu.memory_space<hbm>>
      tpu.wait_indirect_dma semaphore(%arg7 : memref<!tpu.dma_semaphore, #tpu.memory_space<semaphore_mem>>) src(%dma_wait3A_455 : memref<1000000x32xf32, #tpu.memory_space<hbm>>) dst(%dma_wait3A_451 : memref<96x32xf32, #tpu.memory_space<vmem>>)
      %dma_wait3A_456 = arith.constant 1 : i32
      %dma_wait3A_457 = arith.constant 0 : i32
      %dma_wait3A_458 = arith.constant 96 : i32
      %dma_wait3A_459 = arith.constant 0 : i32
      %dma_wait3A_460 = tpu.memref_slice %arg6[%dma_wait3A_456, %dma_wait3A_457, %dma_wait3A_458, %dma_wait3A_459] : memref<2x4x200x32xf32, #tpu.memory_space<vmem>> -> memref<1x1x104x32xf32, #tpu.memory_space<vmem>>
      %dma_wait3A_461 = tpu.memref_squeeze %dma_wait3A_460 : memref<1x1x104x32xf32, #tpu.memory_space<vmem>> -> memref<104x32xf32, #tpu.memory_space<vmem>>
      %dma_wait3A_462 = tpu.memref_slice %arg5[%add3A_317] : memref<12800xi32, #tpu.memory_space<vmem>> -> memref<104xi32, #tpu.memory_space<vmem>>
      %dma_wait3A_463 = arith.constant 0 : i32
      %dma_wait3A_464 = arith.constant 0 : i32
      %dma_wait3A_465 = tpu.memref_slice %arg2[%dma_wait3A_463, %dma_wait3A_464] : memref<1000000x32xf32, #tpu.memory_space<hbm>> -> memref<1000000x32xf32, #tpu.memory_space<hbm>>
      tpu.wait_indirect_dma semaphore(%arg7 : memref<!tpu.dma_semaphore, #tpu.memory_space<semaphore_mem>>) src(%dma_wait3A_465 : memref<1000000x32xf32, #tpu.memory_space<hbm>>) dst(%dma_wait3A_461 : memref<104x32xf32, #tpu.memory_space<vmem>>)
      %dma_wait3A_466 = arith.constant 1 : i32
      %dma_wait3A_467 = arith.constant 1 : i32
      %dma_wait3A_468 = arith.constant 0 : i32
      %dma_wait3A_469 = arith.constant 0 : i32
      %dma_wait3A_470 = tpu.memref_slice %arg6[%dma_wait3A_466, %dma_wait3A_467, %dma_wait3A_468, %dma_wait3A_469] : memref<2x4x200x32xf32, #tpu.memory_space<vmem>> -> memref<1x1x96x32xf32, #tpu.memory_space<vmem>>
      %dma_wait3A_471 = tpu.memref_squeeze %dma_wait3A_470 : memref<1x1x96x32xf32, #tpu.memory_space<vmem>> -> memref<96x32xf32, #tpu.memory_space<vmem>>
      %dma_wait3A_472 = tpu.memref_slice %arg5[%add3A_325] : memref<12800xi32, #tpu.memory_space<vmem>> -> memref<96xi32, #tpu.memory_space<vmem>>
      %dma_wait3A_473 = arith.constant 0 : i32
      %dma_wait3A_474 = arith.constant 0 : i32
      %dma_wait3A_475 = tpu.memref_slice %arg2[%dma_wait3A_473, %dma_wait3A_474] : memref<1000000x32xf32, #tpu.memory_space<hbm>> -> memref<1000000x32xf32, #tpu.memory_space<hbm>>
      tpu.wait_indirect_dma semaphore(%arg7 : memref<!tpu.dma_semaphore, #tpu.memory_space<semaphore_mem>>) src(%dma_wait3A_475 : memref<1000000x32xf32, #tpu.memory_space<hbm>>) dst(%dma_wait3A_471 : memref<96x32xf32, #tpu.memory_space<vmem>>)
      %dma_wait3A_476 = arith.constant 1 : i32
      %dma_wait3A_477 = arith.constant 1 : i32
      %dma_wait3A_478 = arith.constant 96 : i32
      %dma_wait3A_479 = arith.constant 0 : i32
      %dma_wait3A_480 = tpu.memref_slice %arg6[%dma_wait3A_476, %dma_wait3A_477, %dma_wait3A_478, %dma_wait3A_479] : memref<2x4x200x32xf32, #tpu.memory_space<vmem>> -> memref<1x1x104x32xf32, #tpu.memory_space<vmem>>
      %dma_wait3A_481 = tpu.memref_squeeze %dma_wait3A_480 : memref<1x1x104x32xf32, #tpu.memory_space<vmem>> -> memref<104x32xf32, #tpu.memory_space<vmem>>
      %dma_wait3A_482 = tpu.memref_slice %arg5[%add3A_333] : memref<12800xi32, #tpu.memory_space<vmem>> -> memref<104xi32, #tpu.memory_space<vmem>>
      %dma_wait3A_483 = arith.constant 0 : i32
      %dma_wait3A_484 = arith.constant 0 : i32
      %dma_wait3A_485 = tpu.memref_slice %arg2[%dma_wait3A_483, %dma_wait3A_484] : memref<1000000x32xf32, #tpu.memory_space<hbm>> -> memref<1000000x32xf32, #tpu.memory_space<hbm>>
      tpu.wait_indirect_dma semaphore(%arg7 : memref<!tpu.dma_semaphore, #tpu.memory_space<semaphore_mem>>) src(%dma_wait3A_485 : memref<1000000x32xf32, #tpu.memory_space<hbm>>) dst(%dma_wait3A_481 : memref<104x32xf32, #tpu.memory_space<vmem>>)
      %dma_wait3A_486 = arith.constant 1 : i32
      %dma_wait3A_487 = arith.constant 2 : i32
      %dma_wait3A_488 = arith.constant 0 : i32
      %dma_wait3A_489 = arith.constant 0 : i32
      %dma_wait3A_490 = tpu.memref_slice %arg6[%dma_wait3A_486, %dma_wait3A_487, %dma_wait3A_488, %dma_wait3A_489] : memref<2x4x200x32xf32, #tpu.memory_space<vmem>> -> memref<1x1x96x32xf32, #tpu.memory_space<vmem>>
      %dma_wait3A_491 = tpu.memref_squeeze %dma_wait3A_490 : memref<1x1x96x32xf32, #tpu.memory_space<vmem>> -> memref<96x32xf32, #tpu.memory_space<vmem>>
      %dma_wait3A_492 = tpu.memref_slice %arg5[%add3A_341] : memref<12800xi32, #tpu.memory_space<vmem>> -> memref<96xi32, #tpu.memory_space<vmem>>
      %dma_wait3A_493 = arith.constant 0 : i32
      %dma_wait3A_494 = arith.constant 0 : i32
      %dma_wait3A_495 = tpu.memref_slice %arg2[%dma_wait3A_493, %dma_wait3A_494] : memref<1000000x32xf32, #tpu.memory_space<hbm>> -> memref<1000000x32xf32, #tpu.memory_space<hbm>>
      tpu.wait_indirect_dma semaphore(%arg7 : memref<!tpu.dma_semaphore, #tpu.memory_space<semaphore_mem>>) src(%dma_wait3A_495 : memref<1000000x32xf32, #tpu.memory_space<hbm>>) dst(%dma_wait3A_491 : memref<96x32xf32, #tpu.memory_space<vmem>>)
      %dma_wait3A_496 = arith.constant 1 : i32
      %dma_wait3A_497 = arith.constant 2 : i32
      %dma_wait3A_498 = arith.constant 96 : i32
      %dma_wait3A_499 = arith.constant 0 : i32
      %dma_wait3A_500 = tpu.memref_slice %arg6[%dma_wait3A_496, %dma_wait3A_497, %dma_wait3A_498, %dma_wait3A_499] : memref<2x4x200x32xf32, #tpu.memory_space<vmem>> -> memref<1x1x104x32xf32, #tpu.memory_space<vmem>>
      %dma_wait3A_501 = tpu.memref_squeeze %dma_wait3A_500 : memref<1x1x104x32xf32, #tpu.memory_space<vmem>> -> memref<104x32xf32, #tpu.memory_space<vmem>>
      %dma_wait3A_502 = tpu.memref_slice %arg5[%add3A_349] : memref<12800xi32, #tpu.memory_space<vmem>> -> memref<104xi32, #tpu.memory_space<vmem>>
      %dma_wait3A_503 = arith.constant 0 : i32
      %dma_wait3A_504 = arith.constant 0 : i32
      %dma_wait3A_505 = tpu.memref_slice %arg2[%dma_wait3A_503, %dma_wait3A_504] : memref<1000000x32xf32, #tpu.memory_space<hbm>> -> memref<1000000x32xf32, #tpu.memory_space<hbm>>
      tpu.wait_indirect_dma semaphore(%arg7 : memref<!tpu.dma_semaphore, #tpu.memory_space<semaphore_mem>>) src(%dma_wait3A_505 : memref<1000000x32xf32, #tpu.memory_space<hbm>>) dst(%dma_wait3A_501 : memref<104x32xf32, #tpu.memory_space<vmem>>)
      %dma_wait3A_506 = arith.constant 1 : i32
      %dma_wait3A_507 = arith.constant 3 : i32
      %dma_wait3A_508 = arith.constant 0 : i32
      %dma_wait3A_509 = arith.constant 0 : i32
      %dma_wait3A_510 = tpu.memref_slice %arg6[%dma_wait3A_506, %dma_wait3A_507, %dma_wait3A_508, %dma_wait3A_509] : memref<2x4x200x32xf32, #tpu.memory_space<vmem>> -> memref<1x1x96x32xf32, #tpu.memory_space<vmem>>
      %dma_wait3A_511 = tpu.memref_squeeze %dma_wait3A_510 : memref<1x1x96x32xf32, #tpu.memory_space<vmem>> -> memref<96x32xf32, #tpu.memory_space<vmem>>
      %dma_wait3A_512 = tpu.memref_slice %arg5[%add3A_357] : memref<12800xi32, #tpu.memory_space<vmem>> -> memref<96xi32, #tpu.memory_space<vmem>>
      %dma_wait3A_513 = arith.constant 0 : i32
      %dma_wait3A_514 = arith.constant 0 : i32
      %dma_wait3A_515 = tpu.memref_slice %arg2[%dma_wait3A_513, %dma_wait3A_514] : memref<1000000x32xf32, #tpu.memory_space<hbm>> -> memref<1000000x32xf32, #tpu.memory_space<hbm>>
      tpu.wait_indirect_dma semaphore(%arg7 : memref<!tpu.dma_semaphore, #tpu.memory_space<semaphore_mem>>) src(%dma_wait3A_515 : memref<1000000x32xf32, #tpu.memory_space<hbm>>) dst(%dma_wait3A_511 : memref<96x32xf32, #tpu.memory_space<vmem>>)
      %dma_wait3A_516 = arith.constant 1 : i32
      %dma_wait3A_517 = arith.constant 3 : i32
      %dma_wait3A_518 = arith.constant 96 : i32
      %dma_wait3A_519 = arith.constant 0 : i32
      %dma_wait3A_520 = tpu.memref_slice %arg6[%dma_wait3A_516, %dma_wait3A_517, %dma_wait3A_518, %dma_wait3A_519] : memref<2x4x200x32xf32, #tpu.memory_space<vmem>> -> memref<1x1x104x32xf32, #tpu.memory_space<vmem>>
      %dma_wait3A_521 = tpu.memref_squeeze %dma_wait3A_520 : memref<1x1x104x32xf32, #tpu.memory_space<vmem>> -> memref<104x32xf32, #tpu.memory_space<vmem>>
      %dma_wait3A_522 = tpu.memref_slice %arg5[%add3A_365] : memref<12800xi32, #tpu.memory_space<vmem>> -> memref<104xi32, #tpu.memory_space<vmem>>
      %dma_wait3A_523 = arith.constant 0 : i32
      %dma_wait3A_524 = arith.constant 0 : i32
      %dma_wait3A_525 = tpu.memref_slice %arg2[%dma_wait3A_523, %dma_wait3A_524] : memref<1000000x32xf32, #tpu.memory_space<hbm>> -> memref<1000000x32xf32, #tpu.memory_space<hbm>>
      tpu.wait_indirect_dma semaphore(%arg7 : memref<!tpu.dma_semaphore, #tpu.memory_space<semaphore_mem>>) src(%dma_wait3A_525 : memref<1000000x32xf32, #tpu.memory_space<hbm>>) dst(%dma_wait3A_521 : memref<104x32xf32, #tpu.memory_space<vmem>>)
      %mul3A_526 = arith.constant 4 : i32
      %mul3A_527 = arith.muli %add3A_296, %mul3A_526 : i32
      %add3A_528 = arith.addi %mul3A_2, %mul3A_527 : i32
      %dma_start3A_529 = arith.constant 1 : i32
      %dma_start3A_530 = arith.constant 0 : i32
      %dma_start3A_531 = arith.constant 0 : i32
      %dma_start3A_532 = arith.constant 0 : i32
      %dma_start3A_533 = tpu.memref_slice %arg6[%dma_start3A_529, %dma_start3A_530, %dma_start3A_531, %dma_start3A_532] : memref<2x4x200x32xf32, #tpu.memory_space<vmem>> -> memref<1x4x200x32xf32, #tpu.memory_space<vmem>>
      %dma_start3A_534 = tpu.memref_squeeze %dma_start3A_533 : memref<1x4x200x32xf32, #tpu.memory_space<vmem>> -> memref<4x200x32xf32, #tpu.memory_space<vmem>>
      %dma_start3A_535 = arith.constant 0 : i32
      %dma_start3A_536 = arith.constant 0 : i32
      %dma_start3A_537 = tpu.memref_slice %arg4[%add3A_528, %dma_start3A_535, %dma_start3A_536] : memref<2048x200x32xf32, #tpu.memory_space<hbm>> -> memref<4x200x32xf32, #tpu.memory_space<hbm>>
      %dma_start3A_538 = arith.constant 0 : i32
      %dma_start3A_539 = arith.constant 0 : i32
      %dma_start3A_540 = tpu.memref_slice %arg4[%add3A_528, %dma_start3A_538, %dma_start3A_539] : memref<2048x200x32xf32, #tpu.memory_space<hbm>> -> memref<4x200x32xf32, #tpu.memory_space<hbm>>
      %dma_start3A_541 = arith.constant 0 : i32
      %dma_start3A_542 = arith.constant 0 : i32
      %dma_start3A_543 = arith.constant 0 : i32
      %dma_start3A_544 = tpu.memref_slice %arg6[%dma_start3A_529, %dma_start3A_541, %dma_start3A_542, %dma_start3A_543] : memref<2x4x200x32xf32, #tpu.memory_space<vmem>> -> memref<1x4x200x32xf32, #tpu.memory_space<vmem>>
      %dma_start3A_545 = tpu.memref_squeeze %dma_start3A_544 : memref<1x4x200x32xf32, #tpu.memory_space<vmem>> -> memref<4x200x32xf32, #tpu.memory_space<vmem>>
      tpu.enqueue_dma source(%dma_start3A_545 : memref<4x200x32xf32, #tpu.memory_space<vmem>>) target(%dma_start3A_540 : memref<4x200x32xf32, #tpu.memory_space<hbm>>) target_semaphore(%arg8 : memref<!tpu.dma_semaphore, #tpu.memory_space<semaphore_mem>>)
    }
    %scan3A_9 = arith.constant 8 : i32
    %dma_wait3A = arith.constant 0 : i32
    %dma_wait3A_10 = arith.constant 0 : i32
    %dma_wait3A_11 = arith.constant 0 : i32
    %dma_wait3A_12 = arith.constant 0 : i32
    %dma_wait3A_13 = tpu.memref_slice %arg6[%dma_wait3A, %dma_wait3A_10, %dma_wait3A_11, %dma_wait3A_12] : memref<2x4x200x32xf32, #tpu.memory_space<vmem>> -> memref<1x4x200x32xf32, #tpu.memory_space<vmem>>
    %dma_wait3A_14 = tpu.memref_squeeze %dma_wait3A_13 : memref<1x4x200x32xf32, #tpu.memory_space<vmem>> -> memref<4x200x32xf32, #tpu.memory_space<vmem>>
    %dma_wait3A_15 = arith.constant 0 : i32
    %dma_wait3A_16 = arith.constant 0 : i32
    %dma_wait3A_17 = tpu.memref_slice %arg4[%mul3A_2, %dma_wait3A_15, %dma_wait3A_16] : memref<2048x200x32xf32, #tpu.memory_space<hbm>> -> memref<4x200x32xf32, #tpu.memory_space<hbm>>
    %dma_wait3A_18 = arith.constant 0 : i32
    %dma_wait3A_19 = arith.constant 0 : i32
    %dma_wait3A_20 = tpu.memref_slice %arg4[%mul3A_2, %dma_wait3A_18, %dma_wait3A_19] : memref<2048x200x32xf32, #tpu.memory_space<hbm>> -> memref<4x200x32xf32, #tpu.memory_space<hbm>>
    %dma_wait3A_21 = arith.constant 0 : i32
    %dma_wait3A_22 = arith.constant 0 : i32
    %dma_wait3A_23 = arith.constant 0 : i32
    %dma_wait3A_24 = tpu.memref_slice %arg6[%dma_wait3A, %dma_wait3A_21, %dma_wait3A_22, %dma_wait3A_23] : memref<2x4x200x32xf32, #tpu.memory_space<vmem>> -> memref<1x4x200x32xf32, #tpu.memory_space<vmem>>
    %dma_wait3A_25 = tpu.memref_squeeze %dma_wait3A_24 : memref<1x4x200x32xf32, #tpu.memory_space<vmem>> -> memref<4x200x32xf32, #tpu.memory_space<vmem>>
    tpu.wait_dma2 semaphore(%arg8 : memref<!tpu.dma_semaphore, #tpu.memory_space<semaphore_mem>>) src(%dma_wait3A_25 : memref<4x200x32xf32, #tpu.memory_space<vmem>>) dst(%dma_wait3A_20 : memref<4x200x32xf32, #tpu.memory_space<hbm>>)
    %dma_wait3A_26 = arith.constant 1 : i32
    %dma_wait3A_27 = arith.constant 0 : i32
    %dma_wait3A_28 = arith.constant 0 : i32
    %dma_wait3A_29 = arith.constant 0 : i32
    %dma_wait3A_30 = tpu.memref_slice %arg6[%dma_wait3A_26, %dma_wait3A_27, %dma_wait3A_28, %dma_wait3A_29] : memref<2x4x200x32xf32, #tpu.memory_space<vmem>> -> memref<1x4x200x32xf32, #tpu.memory_space<vmem>>
    %dma_wait3A_31 = tpu.memref_squeeze %dma_wait3A_30 : memref<1x4x200x32xf32, #tpu.memory_space<vmem>> -> memref<4x200x32xf32, #tpu.memory_space<vmem>>
    %dma_wait3A_32 = arith.constant 0 : i32
    %dma_wait3A_33 = arith.constant 0 : i32
    %dma_wait3A_34 = tpu.memref_slice %arg4[%mul3A_2, %dma_wait3A_32, %dma_wait3A_33] : memref<2048x200x32xf32, #tpu.memory_space<hbm>> -> memref<4x200x32xf32, #tpu.memory_space<hbm>>
    %dma_wait3A_35 = arith.constant 0 : i32
    %dma_wait3A_36 = arith.constant 0 : i32
    %dma_wait3A_37 = tpu.memref_slice %arg4[%mul3A_2, %dma_wait3A_35, %dma_wait3A_36] : memref<2048x200x32xf32, #tpu.memory_space<hbm>> -> memref<4x200x32xf32, #tpu.memory_space<hbm>>
    %dma_wait3A_38 = arith.constant 0 : i32
    %dma_wait3A_39 = arith.constant 0 : i32
    %dma_wait3A_40 = arith.constant 0 : i32
    %dma_wait3A_41 = tpu.memref_slice %arg6[%dma_wait3A_26, %dma_wait3A_38, %dma_wait3A_39, %dma_wait3A_40] : memref<2x4x200x32xf32, #tpu.memory_space<vmem>> -> memref<1x4x200x32xf32, #tpu.memory_space<vmem>>
    %dma_wait3A_42 = tpu.memref_squeeze %dma_wait3A_41 : memref<1x4x200x32xf32, #tpu.memory_space<vmem>> -> memref<4x200x32xf32, #tpu.memory_space<vmem>>
    tpu.wait_dma2 semaphore(%arg8 : memref<!tpu.dma_semaphore, #tpu.memory_space<semaphore_mem>>) src(%dma_wait3A_42 : memref<4x200x32xf32, #tpu.memory_space<vmem>>) dst(%dma_wait3A_37 : memref<4x200x32xf32, #tpu.memory_space<hbm>>)
    return
  }
}

</mosaic_0001>

<sc_bundles>
// kernel: _embed.3.cloned.1.call-start
scs
__scs_entry_jumppad:
0x0: {  	(pc) =	sbr.rel $0x88, $3  }
0x1: {  	(tag) =	ssettag $0x0;
	lr =	simm.s32 $0x1  }
0x2: {  	[smem:$0x3F9F] =	sst lr;
	_ =	strace $0xD0000000  }
0x3: {  	_ = 	snop  }
0x4: {  	_ = 	snop  }
0x5: {  	_ = 	snop  }
0x6: {  	_ = 	snop  }
0x7: {  	_ = 	snop  }
__scs_overlays_trampoline_lowered:
0x8: {  	[smem:$0x3FAE] =	sst s0  }
0x9: {  	[smem:$0x3FAF] =	sst s1  }
0xa: {  	[smem:$0x3FB0] =	sst s2  }
0xb: {  	[smem:$0x3FB1] =	sst s3  }
0xc: {  	[smem:$0x3FB2] =	sst s4  }
0xd: {  	[smem:$0x3FB3] =	sst s5  }
0xe: {  	[smem:$0x3FB4] =	sst s6  }
0xf: {  	[smem:$0x3FB5] =	sst s7  }
0x10: {  	[smem:$0x3FB6] =	sst s8  }
0x11: {  	[smem:$0x3FB7] =	sst s9;
	s0 =	simm.s32 @!p0 $0x0  }
0x12: {  	s1 =	sld [smem:$0x3F9D];
	s0 =	simm.s32 @p0 $0x1  }
0x13: {  	[smem:$0x3FB8] =	sst s0;
	s0 =	simm.s32 @!p1 $0x0  }
0x14: {  	s2 =	sld [smem:$0x3F9C];
	s0 =	simm.s32 @p1 $0x1  }
0x15: {  	[smem:$0x3FB9] =	sst s0;
	s0 =	simm.s32 @!p2 $0x0  }
0x16: {  	s3 =	sld [smem:$0x3FDB];
	s0 =	simm.s32 @p2 $0x1  }
0x17: {  	s4 =	simm.s32 $0x1BF5;
	[smem:$0x3FBB] =	sst s0  }
0x18: {  	s0 =	sld [smem:$0x3F9E];
	_ =	swait.ge [sflag:s4], $0x0  }
0x19: {  	s7 =	sld [smem:$0x3F9F]  }
0x1a: {  	s8 =	sadd.s32 $0xFFFFE003, lr  }
0x1b: {  	s9 =	sadd.s32 $0xFFFFFEF7, lr;
	s5 =	simm.s32 $0xFFFFFFFF;
	p2 =	slt.u32 s8, $0xFFFFF086  }
0x1c: {  	p1 =	slt.u32 s9, $0xF7A;
	s5 =	simm.s32 @!p2 $0x0  }
0x1d: {  	s5 =	simm.s32 @p1 $0x1;
	p0 =	seq.s32 s7, s2  }
0x1e: {  	s7 =	smul.u32 @!p0 $0xF7A, s2;
	p2 =	seq.s32 @!p0 s5, $0x0  }
0x1f: {  	s9 =	smul.u32 $0xF7A, s1;
	s8 =	simm.s32 @!p0 $0x1BF5;
	p2 =	por !p2, p0  }
0x20: {  	[sflag:s8] =	ssyncset.s32 @!p0 $0xFFFFF086;
	s6 =	sadd.s32 @!p0 s3, s7;
	s7 =	simm.s32 @!p0 $0x108  }
0x21: {  	s3 =	sadd.s32 s3, s9;
	s6 =	sadd.s32 @!p0 $0x88, s6;
	s7 =	simm.s32 @p2 $0x1082  }
0x22: {  	[simem:s7], [sflag:s8] =	dma.local @!p0 [hbm:s6], $0xF7A  }
0x23: {  	s9 =	sor.u32 $0xD0000000, s2;
	s6 =	simm.s32 $0x108;
	_ =	swait.ge @!p0 [sflag:s8], $0x0  }
0x24: {  	s3 =	sadd.s32 $0x88, s3;
	s6 =	simm.s32 @!p1 $0x1082;
	[sflag:s4] =	ssyncset.s32 $0xFFFFF086  }
0x25: {  	[simem:s6], [sflag:s4] =	dma.local [hbm:s3], $0xF7A  }
0x26: {  	[smem:$0x3F9F] =	sst s1;
	(tag) =	ssettag s2;
	_ =	strace s9  }
0x27: {  	s1 =	sld [smem:$0x3FAF]  }
0x28: {  	s2 =	sld [smem:$0x3FB0]  }
0x29: {  	s4 =	sld [smem:$0x3FB2]  }
0x2a: {  	p0 =	seq.s32 s5, $0x0;
	s5 =	sld [smem:$0x3FB3]  }
0x2b: {  	s6 =	sld [smem:$0x3FB4]  }
0x2c: {  	s7 =	sld [smem:$0x3FB5]  }
0x2d: {  	s3 =	simm.s32 $0x108;
	s8 =	sld [smem:$0x3FB6]  }
0x2e: {  	s3 =	simm.s32 @!p0 $0x1082;
	s9 =	sld [smem:$0x3FB7]  }
0x2f: {  	lr =	sadd.s32 s0, s3;
	s0 =	sld [smem:$0x3FAE]  }
0x30: {  	s3 =	sld [smem:$0x3FB1]  }
0x31: {  	[smem:$0x3FBA] =	sst s10  }
0x32: {  	s10 =	sld [smem:$0x3FB8];
	_ =	sdelay $0x3  }
0x33: {  	p0 =	seq.s32 s10, $0x1;
	s10 =	sld [smem:$0x3FBA];
	_ =	sdelay $0x3  }
0x34: {  	[smem:$0x3FBA] =	sst s10  }
0x35: {  	s10 =	sld [smem:$0x3FB9];
	_ =	sdelay $0x3  }
0x36: {  	p1 =	seq.s32 s10, $0x1;
	s10 =	sld [smem:$0x3FBA];
	_ =	sdelay $0x3  }
0x37: {  	[smem:$0x3FBA] =	sst s10  }
0x38: {  	s10 =	sld [smem:$0x3FBB]  }
0x39: {  	_ = 	snop;
	(pc) =	sbr.ind lr, $3  }
0x3a: {  	_ = 	snop  }
0x3b: {  	_ = 	snop  }
0x3c: {  	p2 =	seq.s32 s10, $0x1;
	s10 =	sld [smem:$0x3FBA]  }
0x3d: {  	_ =	shalt  }
0x3e: {  	_ =	shalt  }
0x3f: {  	_ =	shalt  }
0x40: {  	_ =	shalt  }
0x41: {  	_ =	shalt  }
0x42: {  	_ =	shalt  }
0x43: {  	_ =	shalt  }
0x44: {  	_ =	shalt  }
0x45: {  	_ =	shalt  }
0x46: {  	_ =	shalt  }
0x47: {  	_ =	shalt  }
0x48: {  	_ =	shalt  }
0x49: {  	_ =	shalt  }
0x4a: {  	_ =	shalt  }
0x4b: {  	_ =	shalt  }
0x4c: {  	_ =	shalt  }
0x4d: {  	_ =	shalt  }
0x4e: {  	_ =	shalt  }
0x4f: {  	_ =	shalt  }
0x50: {  	_ =	shalt  }
0x51: {  	_ =	shalt  }
0x52: {  	_ =	shalt  }
0x53: {  	_ =	shalt  }
0x54: {  	_ =	shalt  }
0x55: {  	_ =	shalt  }
0x56: {  	_ =	shalt  }
0x57: {  	_ =	shalt  }
0x58: {  	_ =	shalt  }
0x59: {  	_ =	shalt  }
0x5a: {  	_ =	shalt  }
0x5b: {  	_ =	shalt  }
0x5c: {  	_ =	shalt  }
0x5d: {  	_ =	shalt  }
0x5e: {  	_ =	shalt  }
0x5f: {  	_ =	shalt  }
0x60: {  	_ =	shalt  }
0x61: {  	_ =	shalt  }
0x62: {  	_ =	shalt  }
0x63: {  	_ =	shalt  }
0x64: {  	_ =	shalt  }
0x65: {  	_ =	shalt  }
0x66: {  	_ =	shalt  }
0x67: {  	_ =	shalt  }
0x68: {  	_ =	shalt  }
0x69: {  	_ =	shalt  }
0x6a: {  	_ =	shalt  }
0x6b: {  	_ =	shalt  }
0x6c: {  	_ =	shalt  }
0x6d: {  	_ =	shalt  }
0x6e: {  	_ =	shalt  }
0x6f: {  	_ =	shalt  }
0x70: {  	_ =	shalt  }
0x71: {  	_ =	shalt  }
0x72: {  	_ =	shalt  }
0x73: {  	_ =	shalt  }
0x74: {  	_ =	shalt  }
0x75: {  	_ =	shalt  }
0x76: {  	_ =	shalt  }
0x77: {  	_ =	shalt  }
0x78: {  	_ =	shalt  }
0x79: {  	_ =	shalt  }
0x7a: {  	_ =	shalt  }
0x7b: {  	_ =	shalt  }
0x7c: {  	_ =	shalt  }
0x7d: {  	_ =	shalt  }
0x7e: {  	_ =	shalt  }
0x7f: {  	_ =	shalt  }
0x80: {  	_ =	shalt  }
0x81: {  	_ =	shalt  }
0x82: {  	_ =	shalt  }
0x83: {  	_ =	shalt  }
0x84: {  	_ =	shalt  }
0x85: {  	_ =	shalt  }
0x86: {  	_ =	shalt  }
0x87: {  	_ =	shalt  }
.Lfunc_end0:
.L_simem_size_0:
called_computation.1_lowered:
.L_overlay_start_0:
0x88: {  	s2 =	sld [smem:$0x3FD9]  }
0x89: {  	s3 =	sld [smem:$0x3FFE];
	_ =	sdelay $0x1  }
0x8a: {  	s1 =	srdreg.scid  }
0x8b: {  	s0 =	sand.u32 $0x1, s1  }
0x8c: {  	s17 =	sshll.u32 s0, $0xA;
	s2 =	sadd.s32 s3, s2  }
0x8d: {  	s2 =	sadd.s32 s2, s17  }
0x8e: {  	[smem:$0x3FC6] =	sst s2  }
0x8f: {  	_ = 	snop  }
0x90: {  	s2 =	sld [smem:$0x3FC9]  }
0x91: {  	s18 =	sld [smem:$0x3FD0];
	(tm) =	ssettm $0x1  }
0x92: {  	s4 =	sld [smem:$0x3FFB];
	_ =	sdelay $0x3  }
0x93: {  	_ =	strace s4  }
0x94: {  	s4 =	sld [smem:$0x3FFC];
	_ =	sdelay $0x3  }
0x95: {  	_ =	strace s4  }
0x96: {  	s4 =	sld [smem:$0x3FFD];
	_ =	sdelay $0x3  }
0x97: {  	_ =	strace s4  }
0x98: {  	_ =	strace $0x8FFFFFFF  }
0x99: {  	s19 =	sld [smem:$0x3FDB];
	_ =	sdelay $0x1  }
0x9a: {  	s5 =	simm.s32 $_scs_section_size  }
0x9b: {  	s6 =	simm.s32 $_size__tile_overlayer_lowered;
	s7 =	simm.s32 $_tile_overlayer_lowered  }
0x9c: {  	s22 =	simm.s32 $0x1BFF;
	s21 =	sshll.u32 s7, $0x1;
	s4 =	sadd.s32 s5, s19  }
0x9d: {  	s8 =	simm.s32 $0x0;
	s20 =	sshll.u32 s6, $0x1;
	s6 =	sadd.s32 s21, s4  }
0x9e: {  	[timem:s8], [sflag:s22] =	dma.local [hbm:s6], s20  }
0x9f: {  	_ =	swait.ge [sflag:s22], s20  }
0xa0: {  	s5 =	ssub.s32 $0x0, s20;
	[sflag:s22] =	ssyncset.done $0x0  }
0xa1: {  	[sflag:s22] =	ssyncadd.s32 s5;
	_ =	sdelay $0x1  }
0xa2: {  	s23 =	simm.s32 $0x1B8B  }
0xa3: {  	_ =	swait.ge [sflag:s23], $0x1  }
0xa4: {  	[sflag:s23] =	ssyncset.done $0x0  }
0xa5: {  	s25 =	simm.s32 $0x1B8E;
	s24 =	sld [smem:$0x3FFE];
	[sflag:s23] =	ssyncadd.s32 $0xFFFFFFFF  }
0xa6: {  	s26 =	simm.s32 $execute0_lowered;
	[smem:$0x3FD2] =	sst s25  }
0xa7: {  	s6 =	sshll.u32 s26, $0x1;
	_ =	strace $0x80000046;
	[dreg:$0x1] =	wrdreg $0xFFFFFFFF  }
0xa8: {  	s28 =	simm.s32 $_size_execute0_lowered;
	s4 =	sadd.s32 s4, s6;
	[dreg:$0x0] =	wrdreg $0x0  }
0xa9: {  	s6 =	sshll.u32 s28, $0x1;
	[dreg:$0x2] =	wrdreg s4  }
0xaa: {  	[dreg:$0x3] =	wrdreg s6  }
0xab: {  	[dreg:$0x4] =	wrdreg $0xC0  }
0xac: {  	_ =	task [dreg:s8], $0x5FFFF  }
0xad: {  	[dreg:$0x1] =	wrdreg $0xFFFFFFFF  }
0xae: {  	[dreg:$0x0] =	wrdreg $0x60  }
0xaf: {  	[dreg:$0x2] =	wrdreg s24  }
0xb0: {  	[dreg:$0x3] =	wrdreg s2  }
0xb1: {  	[dreg:$0x4] =	wrdreg s18  }
0xb2: {  	[dreg:$0x5] =	wrdreg $0x9  }
0xb3: {  	_ =	task.clear_ibuf [dreg:s8], $0x6FFFF;
	_ =	strace $0x90000046  }
0xb4: {  	s29 =	simm.s32 $0x9;
	_ =	strace $0x80000048  }
0xb5: {  	_ =	swait.ge [sflag:s29], $0x1  }
0xb6: {  	[sflag:s29] =	ssyncadd.s32 $0xFFFFFFFF  }
0xb7: {  	_ =	strace $0x90000048  }
0xb8: {  	_ =	sfence  }
0xb9: {  	s30 =	sld [smem:$0x0];
	_ =	sdelay $0x2  }
0xba: {  	s31 =	sshll.u32 s1, $0xD;
	s1 =	sshrl.u32 s1, $0x2  }
0xbb: {  	s3 =	sand.u32 $0x4000, s31;
	s1 =	sadd.s32 s1, s30  }
0xbc: {  	s0 =	sor.u32 s3, s0;
	s1 =	sshll.u32 s1, $0x11  }
0xbd: {  	s0 =	sor.u32 s1, s0  }
0xbe: {  	s0 =	sadd.s32 $0x8F2B, s0  }
0xbf: {  	[sflag:s0] =	ssyncadd.remote.s32 $0x1  }
0xc0: {  	_ =	sfence.sel $0xFFFF  }
0xc1: {  	[dreg:$0x0] =	wrdreg $0xFFFFFFFF;
	(pc) =	sbr.abs _section_cstart, $3  }
0xc2: {  	[dreg:$0x1] =	wrdreg $0xFFFFFFFF  }
0xc3: {  	_ =	task.clear_ibuf [dreg:s8], $0x2FFFF;
	_ =	strace $0x9FFFFFFF  }
0xc4: {  	(tm) =	ssettm $0x7FFFFFFF  }
0xc5: {  	_ =	shalt  }
tec
execute0_lowered:
.L_overlay_start_1:
0x0: {  	(tag) =	ssettag $0x1  }
0x1: {  	s3 =	rddreg [dreg:$0x0]  }
0x2: {  	s4 =	rddreg [dreg:$0x1]  }
0x3: {  	s5 =	rddreg [dreg:$0x2]  }
0x4: {  	s0 =	rddreg [dreg:$0x3];
	s2 =	simm.s32 $0x0;
	s6 =	srdreg.scid  }
0x5: {  	s1 =	stileid.u32;
	s24 =	simm.s32 $0x3E00;
	s25 =	simm.s32 $0x4B00  }
0x6: {  	s26 =	simm.s32 $0x5700;
	s28 =	simm.s32 $0x6400;
	s29 =	simm.s32 $0x7000  }
0x7: {  	s30 =	simm.s32 $0x7D00;
	s31 =	simm.s32 $0x8900;
	s11 =	simm.s32 $0x9600  }
0x8: {  	s12 =	simm.s32 $0xA200;
	s13 =	simm.s32 $0xBB00;
	[smem:$0x7FF] =	sst s2  }
0x9: {  	s14 =	simm.s32 $0xC800;
	_ =	strace $0x80000047;
	[dreg:$0x5] =	wrdreg s24  }
0xa: {  	s15 =	simm.s32 $0xD400;
	s16 =	simm.s32 $0xE100;
	[dreg:$0x6] =	wrdreg s25  }
0xb: {  	s17 =	simm.s32 $0xED00;
	s18 =	simm.s32 $0x2;
	[dreg:$0x7] =	wrdreg s26  }
0xc: {  	s19 =	simm.s32 $0x0;
	s6 =	sand.u32 $0x1, s6;
	[dreg:$0x8] =	wrdreg s28  }
0xd: {  	s7 =	smul.u32 $0x19000, s1;
	s3 =	sadd.s32 $0xF42C00, s3;
	[dreg:$0x9] =	wrdreg s29  }
0xe: {  	s10 =	sshll.u32 s1, $0x1;
	s8 =	smul.u32 $0xC800, s6;
	[dreg:$0xa] =	wrdreg s30  }
0xf: {  	s9 =	ssub.s32 $0x2, s6;
	s6 =	sor.u32 s6, s10;
	[dreg:$0xb] =	wrdreg s31  }
0x10: {  	s10 =	simm.s32 $0x1;
	[dreg:$0xc] =	wrdreg s12;
	s12 =	simm.s32 $0xAF00  }
0x11: {  	s5 =	sadd.s32 s7, s5;
	s23 =	sshrl.u32 s9, $0x1;
	s6 =	smul.u32 $0x640, s6  }
0x12: {  	s5 =	sadd.s32 s8, s5;
	s7 =	ssub.s32 s9, s23;
	s8 =	simm.s32 $0x3200  }
0x13: {  	s9 =	simm.s32 $0x68;
	[dreg:$0x4] =	wrdreg s5;
	s4 =	sadd.s32 s4, s6  }
0x14: {  	s5 =	smax.u32 s7, $0x1;
	s6 =	simm.s32 $0x3;
	s7 =	simm.s32 $0x60  }
.LBB2_1:
0x15: {  	[tilespmem:s2], [sflag:$0x3] =	stream.linear.gather [hbm4b:s4+s2], $0x3200, $0x38;
	[tilespmem:$0xFA00] =	vst v63  }
0x16: {  	_ =	swait.ge [sflag:s6], $0x3200  }
0x17: {  	p0 =	por $0x1, $0x1;
	[sflag:s6] =	ssyncset.done $0x0  }
0x18: {  	s20 =	simm.s32 @!p0 $0x2;
	[sflag:s6] =	ssyncadd.s32 $0xFFFFCE00  }
0x19: {  	_ =	swait.ge @!p0 [sflag:s20], $0x6400  }
0x1a: {  	[sflag:s20] =	ssyncset.done @!p0 $0x0  }
0x1b: {  	s21 =	simm.s32 $0x0;
	[sflag:s20] =	ssyncadd.s32 @!p0 $0xFFFF9C00  }
0x1c: {  	[tilespmem:s8], [sflag:$0x1] =	stream.indirect.gather [hbm4b:s3+s7], $0x20, s21, s7, $0xb8;
	[tilespmem:$0xFA00] =	vst v63  }
0x1d: {  	s26 =	simm.s32 $0x60;
	s22 =	rddreg [dreg:$0x5]  }
0x1e: {  	[tilespmem:s22], [sflag:$0x1] =	stream.indirect.gather [hbm4b:s3+s9], $0x20, s26, s9, $0xb8;
	[tilespmem:$0xFA00] =	vst v63  }
0x1f: {  	s28 =	simm.s32 $0xC8;
	s23 =	rddreg [dreg:$0x6]  }
0x20: {  	[tilespmem:s23], [sflag:$0x1] =	stream.indirect.gather [hbm4b:s3+s7], $0x20, s28, s7, $0xb8;
	[tilespmem:$0xFA00] =	vst v63  }
0x21: {  	s30 =	simm.s32 $0x128;
	s29 =	rddreg [dreg:$0x7]  }
0x22: {  	[tilespmem:s29], [sflag:$0x1] =	stream.indirect.gather [hbm4b:s3+s9], $0x20, s30, s9, $0xb8;
	[tilespmem:$0xFA00] =	vst v63  }
0x23: {  	s31 =	rddreg [dreg:$0x8];
	s22 =	simm.s32 $0x190  }
0x24: {  	[tilespmem:s31], [sflag:$0x1] =	stream.indirect.gather [hbm4b:s3+s7], $0x20, s22, s7, $0xb8;
	[tilespmem:$0xFA00] =	vst v63  }
0x25: {  	s25 =	simm.s32 $0x1F0;
	s24 =	rddreg [dreg:$0x9]  }
0x26: {  	[tilespmem:s24], [sflag:$0x1] =	stream.indirect.gather [hbm4b:s3+s9], $0x20, s25, s9, $0xb8;
	[tilespmem:$0xFA00] =	vst v63  }
0x27: {  	s26 =	rddreg [dreg:$0xa];
	s28 =	simm.s32 $0x258  }
0x28: {  	[tilespmem:s26], [sflag:$0x1] =	stream.indirect.gather [hbm4b:s3+s7], $0x20, s28, s7, $0xb8;
	[tilespmem:$0xFA00] =	vst v63  }
0x29: {  	s29 =	rddreg [dreg:$0xb];
	s30 =	simm.s32 $0x2B8  }
0x2a: {  	[tilespmem:s29], [sflag:$0x1] =	stream.indirect.gather [hbm4b:s3+s9], $0x20, s30, s9, $0xb8;
	[tilespmem:$0xFA00] =	vst v63  }
0x2b: {  	_ =	swait.ge [sflag:s10], $0xC00  }
0x2c: {  	[sflag:s10] =	ssyncset.done $0x0  }
0x2d: {  	[sflag:s10] =	ssyncadd.s32 $0xFFFFF400  }
0x2e: {  	_ =	swait.ge [sflag:s10], $0xD00  }
0x2f: {  	[sflag:s10] =	ssyncset.done $0x0  }
0x30: {  	[sflag:s10] =	ssyncadd.s32 $0xFFFFF300  }
0x31: {  	_ =	swait.ge [sflag:s10], $0xC00  }
0x32: {  	[sflag:s10] =	ssyncset.done $0x0  }
0x33: {  	[sflag:s10] =	ssyncadd.s32 $0xFFFFF400  }
0x34: {  	_ =	swait.ge [sflag:s10], $0xD00  }
0x35: {  	[sflag:s10] =	ssyncset.done $0x0  }
0x36: {  	[sflag:s10] =	ssyncadd.s32 $0xFFFFF300  }
0x37: {  	_ =	swait.ge [sflag:s10], $0xC00  }
0x38: {  	[sflag:s10] =	ssyncset.done $0x0  }
0x39: {  	[sflag:s10] =	ssyncadd.s32 $0xFFFFF400  }
0x3a: {  	_ =	swait.ge [sflag:s10], $0xD00  }
0x3b: {  	[sflag:s10] =	ssyncset.done $0x0  }
0x3c: {  	[sflag:s10] =	ssyncadd.s32 $0xFFFFF300  }
0x3d: {  	_ =	swait.ge [sflag:s10], $0xC00  }
0x3e: {  	[sflag:s10] =	ssyncset.done $0x0  }
0x3f: {  	[sflag:s10] =	ssyncadd.s32 $0xFFFFF400  }
0x40: {  	_ =	swait.ge [sflag:s10], $0xD00  }
0x41: {  	s31 =	rddreg [dreg:$0x4];
	[sflag:s10] =	ssyncset.done $0x0  }
0x42: {  	[sflag:s10] =	ssyncadd.s32 $0xFFFFF300;
	s22 =	sadd.s32 $0x0, s31  }
0x43: {  	[hbm4b:s22+s2] =	stream.linear.scatter [tilespmem:s8], [sflag:$0x2], $0x6400, $0x38;
	[tilespmem:$0xFA00] =	vst v63  }
0x44: {  	_ =	swait.ge @!p0 [sflag:s20], $0x6400  }
0x45: {  	[sflag:s20] =	ssyncset.done @!p0 $0x0  }
0x46: {  	s21 =	simm.s32 $0x320;
	[sflag:s20] =	ssyncadd.s32 @!p0 $0xFFFF9C00  }
0x47: {  	[tilespmem:s11], [sflag:$0x1] =	stream.indirect.gather [hbm4b:s3+s7], $0x20, s21, s7, $0xb8;
	[tilespmem:$0xFA00] =	vst v63  }
0x48: {  	s24 =	simm.s32 $0x380;
	s23 =	rddreg [dreg:$0xc]  }
0x49: {  	[tilespmem:s23], [sflag:$0x1] =	stream.indirect.gather [hbm4b:s3+s9], $0x20, s24, s9, $0xb8;
	[tilespmem:$0xFA00] =	vst v63  }
0x4a: {  	s25 =	simm.s32 $0x3E8  }
0x4b: {  	[tilespmem:s12], [sflag:$0x1] =	stream.indirect.gather [hbm4b:s3+s7], $0x20, s25, s7, $0xb8;
	[tilespmem:$0xFA00] =	vst v63  }
0x4c: {  	s26 =	simm.s32 $0x448  }
0x4d: {  	[tilespmem:s13], [sflag:$0x1] =	stream.indirect.gather [hbm4b:s3+s9], $0x20, s26, s9, $0xb8;
	[tilespmem:$0xFA00] =	vst v63  }
0x4e: {  	s28 =	simm.s32 $0x4B0  }
0x4f: {  	[tilespmem:s14], [sflag:$0x1] =	stream.indirect.gather [hbm4b:s3+s7], $0x20, s28, s7, $0xb8;
	[tilespmem:$0xFA00] =	vst v63  }
0x50: {  	s29 =	simm.s32 $0x510  }
0x51: {  	[tilespmem:s15], [sflag:$0x1] =	stream.indirect.gather [hbm4b:s3+s9], $0x20, s29, s9, $0xb8;
	[tilespmem:$0xFA00] =	vst v63  }
0x52: {  	s30 =	simm.s32 $0x578  }
0x53: {  	[tilespmem:s16], [sflag:$0x1] =	stream.indirect.gather [hbm4b:s3+s7], $0x20, s30, s7, $0xb8;
	[tilespmem:$0xFA00] =	vst v63  }
0x54: {  	s31 =	simm.s32 $0x5D8  }
0x55: {  	[tilespmem:s17], [sflag:$0x1] =	stream.indirect.gather [hbm4b:s3+s9], $0x20, s31, s9, $0xb8;
	[tilespmem:$0xFA00] =	vst v63  }
0x56: {  	_ =	swait.ge [sflag:s10], $0xC00  }
0x57: {  	[sflag:s10] =	ssyncset.done $0x0  }
0x58: {  	[sflag:s10] =	ssyncadd.s32 $0xFFFFF400  }
0x59: {  	_ =	swait.ge [sflag:s10], $0xD00  }
0x5a: {  	[sflag:s10] =	ssyncset.done $0x0  }
0x5b: {  	[sflag:s10] =	ssyncadd.s32 $0xFFFFF300  }
0x5c: {  	_ =	swait.ge [sflag:s10], $0xC00  }
0x5d: {  	[sflag:s10] =	ssyncset.done $0x0  }
0x5e: {  	[sflag:s10] =	ssyncadd.s32 $0xFFFFF400  }
0x5f: {  	_ =	swait.ge [sflag:s10], $0xD00  }
0x60: {  	[sflag:s10] =	ssyncset.done $0x0  }
0x61: {  	[sflag:s10] =	ssyncadd.s32 $0xFFFFF300  }
0x62: {  	_ =	swait.ge [sflag:s10], $0xC00  }
0x63: {  	[sflag:s10] =	ssyncset.done $0x0  }
0x64: {  	[sflag:s10] =	ssyncadd.s32 $0xFFFFF400  }
0x65: {  	_ =	swait.ge [sflag:s10], $0xD00  }
0x66: {  	[sflag:s10] =	ssyncset.done $0x0  }
0x67: {  	[sflag:s10] =	ssyncadd.s32 $0xFFFFF300  }
0x68: {  	_ =	swait.ge [sflag:s10], $0xC00  }
0x69: {  	[sflag:s10] =	ssyncset.done $0x0  }
0x6a: {  	[sflag:s10] =	ssyncadd.s32 $0xFFFFF400  }
0x6b: {  	p1 =	por $0x0, $0x0;
	s22 =	sadd.s32 $0xC80, s22;
	_ =	swait.ge [sflag:s10], $0xD00  }
0x6c: {  	s20 =	simm.s32 $0x1900;
	s21 =	simm.s32 $0x3200;
	[sflag:s10] =	ssyncset.done $0x0  }
.LBB2_2:
0x6d: {  	s23 =	simm.s32 @!p1 $0x2;
	[sflag:s10] =	ssyncadd.s32 $0xFFFFF300  }
0x6e: {  	[hbm4b:s22+s2] =	stream.linear.scatter [tilespmem:s11], [sflag:$0x2], $0x6400, $0x38;
	[tilespmem:$0xFA00] =	vst v63  }
0x6f: {  	_ =	swait.ge @!p1 [sflag:s23], $0x6400  }
0x70: {  	[sflag:s23] =	ssyncset.done @!p1 $0x0  }
0x71: {  	s22 =	sshra.s32 s20, $0x2;
	[sflag:s23] =	ssyncadd.s32 @!p1 $0xFFFF9C00  }
0x72: {  	[tilespmem:s8], [sflag:$0x1] =	stream.indirect.gather [hbm4b:s3+s7], $0x20, s22, s7, $0xb8;
	[tilespmem:$0xFA00] =	vst v63  }
0x73: {  	s26 =	sadd.s32 $0x60, s22;
	s25 =	rddreg [dreg:$0x5]  }
0x74: {  	[tilespmem:s25], [sflag:$0x1] =	stream.indirect.gather [hbm4b:s3+s9], $0x20, s26, s9, $0xb8;
	[tilespmem:$0xFA00] =	vst v63  }
0x75: {  	s28 =	rddreg [dreg:$0x6];
	s26 =	sadd.s32 $0xC8, s22  }
0x76: {  	[tilespmem:s28], [sflag:$0x1] =	stream.indirect.gather [hbm4b:s3+s7], $0x20, s26, s7, $0xb8;
	[tilespmem:$0xFA00] =	vst v63  }
0x77: {  	s30 =	sadd.s32 $0x128, s22;
	s29 =	rddreg [dreg:$0x7]  }
0x78: {  	[tilespmem:s29], [sflag:$0x1] =	stream.indirect.gather [hbm4b:s3+s9], $0x20, s30, s9, $0xb8;
	[tilespmem:$0xFA00] =	vst v63  }
0x79: {  	s31 =	rddreg [dreg:$0x8];
	s26 =	sadd.s32 $0x190, s22  }
0x7a: {  	[tilespmem:s31], [sflag:$0x1] =	stream.indirect.gather [hbm4b:s3+s7], $0x20, s26, s7, $0xb8;
	[tilespmem:$0xFA00] =	vst v63  }
0x7b: {  	s29 =	rddreg [dreg:$0x9];
	s30 =	sadd.s32 $0x1F0, s22  }
0x7c: {  	[tilespmem:s29], [sflag:$0x1] =	stream.indirect.gather [hbm4b:s3+s9], $0x20, s30, s9, $0xb8;
	[tilespmem:$0xFA00] =	vst v63  }
0x7d: {  	s31 =	rddreg [dreg:$0xa];
	s29 =	sadd.s32 $0x258, s22  }
0x7e: {  	[tilespmem:s31], [sflag:$0x1] =	stream.indirect.gather [hbm4b:s3+s7], $0x20, s29, s7, $0xb8;
	[tilespmem:$0xFA00] =	vst v63  }
0x7f: {  	s30 =	rddreg [dreg:$0xb];
	s31 =	sadd.s32 $0x2B8, s22  }
0x80: {  	[tilespmem:s30], [sflag:$0x1] =	stream.indirect.gather [hbm4b:s3+s9], $0x20, s31, s9, $0xb8;
	[tilespmem:$0xFA00] =	vst v63  }
0x81: {  	_ =	swait.ge [sflag:s10], $0xC00  }
0x82: {  	[sflag:s10] =	ssyncset.done $0x0  }
0x83: {  	[sflag:s10] =	ssyncadd.s32 $0xFFFFF400  }
0x84: {  	_ =	swait.ge [sflag:s10], $0xD00  }
0x85: {  	[sflag:s10] =	ssyncset.done $0x0  }
0x86: {  	[sflag:s10] =	ssyncadd.s32 $0xFFFFF300  }
0x87: {  	_ =	swait.ge [sflag:s10], $0xC00  }
0x88: {  	[sflag:s10] =	ssyncset.done $0x0  }
0x89: {  	[sflag:s10] =	ssyncadd.s32 $0xFFFFF400  }
0x8a: {  	_ =	swait.ge [sflag:s10], $0xD00  }
0x8b: {  	[sflag:s10] =	ssyncset.done $0x0  }
0x8c: {  	[sflag:s10] =	ssyncadd.s32 $0xFFFFF300  }
0x8d: {  	_ =	swait.ge [sflag:s10], $0xC00  }
0x8e: {  	[sflag:s10] =	ssyncset.done $0x0  }
0x8f: {  	[sflag:s10] =	ssyncadd.s32 $0xFFFFF400  }
0x90: {  	_ =	swait.ge [sflag:s10], $0xD00  }
0x91: {  	[sflag:s10] =	ssyncset.done $0x0  }
0x92: {  	[sflag:s10] =	ssyncadd.s32 $0xFFFFF300  }
0x93: {  	_ =	swait.ge [sflag:s10], $0xC00  }
0x94: {  	[sflag:s10] =	ssyncset.done $0x0  }
0x95: {  	[sflag:s10] =	ssyncadd.s32 $0xFFFFF400  }
0x96: {  	_ =	swait.ge [sflag:s10], $0xD00  }
0x97: {  	s28 =	rddreg [dreg:$0x4];
	[sflag:s10] =	ssyncset.done $0x0  }
0x98: {  	[sflag:s10] =	ssyncadd.s32 $0xFFFFF300;
	s25 =	sadd.s32 s20, s28  }
0x99: {  	[hbm4b:s25+s2] =	stream.linear.scatter [tilespmem:s8], [sflag:$0x2], $0x6400, $0x38;
	[tilespmem:$0xFA00] =	vst v63  }
0x9a: {  	_ =	swait.ge @!p1 [sflag:s23], $0x6400  }
0x9b: {  	[sflag:s23] =	ssyncset.done @!p1 $0x0  }
0x9c: {  	s29 =	sadd.s32 $0x320, s22;
	[sflag:s23] =	ssyncadd.s32 @!p1 $0xFFFF9C00  }
0x9d: {  	[tilespmem:s11], [sflag:$0x1] =	stream.indirect.gather [hbm4b:s3+s7], $0x20, s29, s7, $0xb8;
	[tilespmem:$0xFA00] =	vst v63  }
0x9e: {  	s31 =	sadd.s32 $0x380, s22;
	s30 =	rddreg [dreg:$0xc]  }
0x9f: {  	[tilespmem:s30], [sflag:$0x1] =	stream.indirect.gather [hbm4b:s3+s9], $0x20, s31, s9, $0xb8;
	[tilespmem:$0xFA00] =	vst v63  }
0xa0: {  	s26 =	sadd.s32 $0x3E8, s22  }
0xa1: {  	[tilespmem:s12], [sflag:$0x1] =	stream.indirect.gather [hbm4b:s3+s7], $0x20, s26, s7, $0xb8;
	[tilespmem:$0xFA00] =	vst v63  }
0xa2: {  	s28 =	sadd.s32 $0x448, s22  }
0xa3: {  	[tilespmem:s13], [sflag:$0x1] =	stream.indirect.gather [hbm4b:s3+s9], $0x20, s28, s9, $0xb8;
	[tilespmem:$0xFA00] =	vst v63  }
0xa4: {  	s29 =	sadd.s32 $0x4B0, s22  }
0xa5: {  	[tilespmem:s14], [sflag:$0x1] =	stream.indirect.gather [hbm4b:s3+s7], $0x20, s29, s7, $0xb8;
	[tilespmem:$0xFA00] =	vst v63  }
0xa6: {  	s30 =	sadd.s32 $0x510, s22  }
0xa7: {  	[tilespmem:s15], [sflag:$0x1] =	stream.indirect.gather [hbm4b:s3+s9], $0x20, s30, s9, $0xb8;
	[tilespmem:$0xFA00] =	vst v63  }
0xa8: {  	s31 =	sadd.s32 $0x578, s22  }
0xa9: {  	[tilespmem:s16], [sflag:$0x1] =	stream.indirect.gather [hbm4b:s3+s7], $0x20, s31, s7, $0xb8;
	[tilespmem:$0xFA00] =	vst v63  }
0xaa: {  	s22 =	sadd.s32 $0x5D8, s22  }
0xab: {  	[tilespmem:s17], [sflag:$0x1] =	stream.indirect.gather [hbm4b:s3+s9], $0x20, s22, s9, $0xb8;
	[tilespmem:$0xFA00] =	vst v63  }
0xac: {  	_ =	swait.ge [sflag:s10], $0xC00  }
0xad: {  	[sflag:s10] =	ssyncset.done $0x0  }
0xae: {  	[sflag:s10] =	ssyncadd.s32 $0xFFFFF400  }
0xaf: {  	_ =	swait.ge [sflag:s10], $0xD00  }
0xb0: {  	[sflag:s10] =	ssyncset.done $0x0  }
0xb1: {  	[sflag:s10] =	ssyncadd.s32 $0xFFFFF300  }
0xb2: {  	_ =	swait.ge [sflag:s10], $0xC00  }
0xb3: {  	[sflag:s10] =	ssyncset.done $0x0  }
0xb4: {  	[sflag:s10] =	ssyncadd.s32 $0xFFFFF400  }
0xb5: {  	_ =	swait.ge [sflag:s10], $0xD00  }
0xb6: {  	[sflag:s10] =	ssyncset.done $0x0  }
0xb7: {  	[sflag:s10] =	ssyncadd.s32 $0xFFFFF300  }
0xb8: {  	_ =	swait.ge [sflag:s10], $0xC00  }
0xb9: {  	[sflag:s10] =	ssyncset.done $0x0  }
0xba: {  	[sflag:s10] =	ssyncadd.s32 $0xFFFFF400  }
0xbb: {  	_ =	swait.ge [sflag:s10], $0xD00  }
0xbc: {  	s24 =	smov.u32 s21;
	s21 =	sadd.s32 $0x1900, s21;
	[sflag:s10] =	ssyncset.done $0x0  }
0xbd: {  	p0 =	sne.s32 s21, $0xC800;
	[sflag:s10] =	ssyncadd.s32 $0xFFFFF300  }
.Ltmp0:
0xbe: {  	_ =	swait.ge [sflag:s10], $0xC00;
	(pc) =	sbr.rel @p0 .LBB2_2-.Ltmp0, $4  }
0xbf: {  	[sflag:s10] =	ssyncset.done $0x0  }
0xc0: {  	[sflag:s10] =	ssyncadd.s32 $0xFFFFF400  }
0xc1: {  	s20 =	smov.u32 s24;
	_ =	swait.ge [sflag:s10], $0xD00  }
0xc2: {  	p1 =	seq.s32 s20, $0x0;
	s22 =	sadd.s32 $0xC80, s25;
	[sflag:s10] =	ssyncset.done $0x0  }
0xc3: {  	s23 =	simm.s32 @!p1 $0x2;
	[sflag:s10] =	ssyncadd.s32 $0xFFFFF300  }
0xc4: {  	[hbm4b:s22+s2] =	stream.linear.scatter [tilespmem:s11], [sflag:$0x2], $0x6400, $0x38;
	[tilespmem:$0xFA00] =	vst v63  }
0xc5: {  	_ =	swait.ge @!p1 [sflag:s23], $0x6400  }
0xc6: {  	[sflag:s23] =	ssyncset.done @!p1 $0x0  }
0xc7: {  	s21 =	sshra.s32 s20, $0x2;
	[sflag:s23] =	ssyncadd.s32 @!p1 $0xFFFF9C00  }
0xc8: {  	[tilespmem:s8], [sflag:$0x1] =	stream.indirect.gather [hbm4b:s3+s7], $0x20, s21, s7, $0xb8;
	[tilespmem:$0xFA00] =	vst v63  }
0xc9: {  	s24 =	sadd.s32 $0x60, s21;
	s31 =	rddreg [dreg:$0x5]  }
0xca: {  	[tilespmem:s31], [sflag:$0x1] =	stream.indirect.gather [hbm4b:s3+s9], $0x20, s24, s9, $0xb8;
	[tilespmem:$0xFA00] =	vst v63  }
0xcb: {  	s25 =	rddreg [dreg:$0x6];
	s24 =	sadd.s32 $0xC8, s21  }
0xcc: {  	[tilespmem:s25], [sflag:$0x1] =	stream.indirect.gather [hbm4b:s3+s7], $0x20, s24, s7, $0xb8;
	[tilespmem:$0xFA00] =	vst v63  }
0xcd: {  	s28 =	sadd.s32 $0x128, s21;
	s26 =	rddreg [dreg:$0x7]  }
0xce: {  	[tilespmem:s26], [sflag:$0x1] =	stream.indirect.gather [hbm4b:s3+s9], $0x20, s28, s9, $0xb8;
	[tilespmem:$0xFA00] =	vst v63  }
0xcf: {  	s30 =	sadd.s32 $0x190, s21;
	s29 =	rddreg [dreg:$0x8]  }
0xd0: {  	[tilespmem:s29], [sflag:$0x1] =	stream.indirect.gather [hbm4b:s3+s7], $0x20, s30, s7, $0xb8;
	[tilespmem:$0xFA00] =	vst v63  }
0xd1: {  	s31 =	rddreg [dreg:$0x9];
	s25 =	sadd.s32 $0x1F0, s21  }
0xd2: {  	[tilespmem:s31], [sflag:$0x1] =	stream.indirect.gather [hbm4b:s3+s9], $0x20, s25, s9, $0xb8;
	[tilespmem:$0xFA00] =	vst v63  }
0xd3: {  	s26 =	rddreg [dreg:$0xa];
	s28 =	sadd.s32 $0x258, s21  }
0xd4: {  	[tilespmem:s26], [sflag:$0x1] =	stream.indirect.gather [hbm4b:s3+s7], $0x20, s28, s7, $0xb8;
	[tilespmem:$0xFA00] =	vst v63  }
0xd5: {  	s29 =	rddreg [dreg:$0xb];
	s30 =	sadd.s32 $0x2B8, s21  }
0xd6: {  	[tilespmem:s29], [sflag:$0x1] =	stream.indirect.gather [hbm4b:s3+s9], $0x20, s30, s9, $0xb8;
	[tilespmem:$0xFA00] =	vst v63  }
0xd7: {  	_ =	swait.ge [sflag:s10], $0xC00  }
0xd8: {  	[sflag:s10] =	ssyncset.done $0x0  }
0xd9: {  	[sflag:s10] =	ssyncadd.s32 $0xFFFFF400  }
0xda: {  	_ =	swait.ge [sflag:s10], $0xD00  }
0xdb: {  	[sflag:s10] =	ssyncset.done $0x0  }
0xdc: {  	[sflag:s10] =	ssyncadd.s32 $0xFFFFF300  }
0xdd: {  	_ =	swait.ge [sflag:s10], $0xC00  }
0xde: {  	[sflag:s10] =	ssyncset.done $0x0  }
0xdf: {  	[sflag:s10] =	ssyncadd.s32 $0xFFFFF400  }
0xe0: {  	_ =	swait.ge [sflag:s10], $0xD00  }
0xe1: {  	[sflag:s10] =	ssyncset.done $0x0  }
0xe2: {  	[sflag:s10] =	ssyncadd.s32 $0xFFFFF300  }
0xe3: {  	_ =	swait.ge [sflag:s10], $0xC00  }
0xe4: {  	[sflag:s10] =	ssyncset.done $0x0  }
0xe5: {  	[sflag:s10] =	ssyncadd.s32 $0xFFFFF400  }
0xe6: {  	_ =	swait.ge [sflag:s10], $0xD00  }
0xe7: {  	[sflag:s10] =	ssyncset.done $0x0  }
0xe8: {  	[sflag:s10] =	ssyncadd.s32 $0xFFFFF300  }
0xe9: {  	_ =	swait.ge [sflag:s10], $0xC00  }
0xea: {  	[sflag:s10] =	ssyncset.done $0x0  }
0xeb: {  	[sflag:s10] =	ssyncadd.s32 $0xFFFFF400  }
0xec: {  	_ =	swait.ge [sflag:s10], $0xD00  }
0xed: {  	s31 =	rddreg [dreg:$0x4];
	[sflag:s10] =	ssyncset.done $0x0  }
0xee: {  	[sflag:s10] =	ssyncadd.s32 $0xFFFFF300;
	s20 =	sadd.s32 s20, s31  }
0xef: {  	[hbm4b:s20+s2] =	stream.linear.scatter [tilespmem:s8], [sflag:$0x2], $0x6400, $0x38;
	[tilespmem:$0xFA00] =	vst v63  }
0xf0: {  	_ =	swait.ge @!p1 [sflag:s23], $0x6400  }
0xf1: {  	[sflag:s23] =	ssyncset.done @!p1 $0x0  }
0xf2: {  	[sflag:s23] =	ssyncadd.s32 @!p1 $0xFFFF9C00;
	s23 =	sadd.s32 $0x320, s21  }
0xf3: {  	[tilespmem:s11], [sflag:$0x1] =	stream.indirect.gather [hbm4b:s3+s7], $0x20, s23, s7, $0xb8;
	[tilespmem:$0xFA00] =	vst v63  }
0xf4: {  	s25 =	sadd.s32 $0x380, s21;
	s24 =	rddreg [dreg:$0xc]  }
0xf5: {  	[tilespmem:s24], [sflag:$0x1] =	stream.indirect.gather [hbm4b:s3+s9], $0x20, s25, s9, $0xb8;
	[tilespmem:$0xFA00] =	vst v63  }
0xf6: {  	s26 =	sadd.s32 $0x3E8, s21  }
0xf7: {  	[tilespmem:s12], [sflag:$0x1] =	stream.indirect.gather [hbm4b:s3+s7], $0x20, s26, s7, $0xb8;
	[tilespmem:$0xFA00] =	vst v63  }
0xf8: {  	s28 =	sadd.s32 $0x448, s21  }
0xf9: {  	[tilespmem:s13], [sflag:$0x1] =	stream.indirect.gather [hbm4b:s3+s9], $0x20, s28, s9, $0xb8;
	[tilespmem:$0xFA00] =	vst v63  }
0xfa: {  	s29 =	sadd.s32 $0x4B0, s21  }
0xfb: {  	[tilespmem:s14], [sflag:$0x1] =	stream.indirect.gather [hbm4b:s3+s7], $0x20, s29, s7, $0xb8;
	[tilespmem:$0xFA00] =	vst v63  }
0xfc: {  	s30 =	sadd.s32 $0x510, s21  }
0xfd: {  	[tilespmem:s15], [sflag:$0x1] =	stream.indirect.gather [hbm4b:s3+s9], $0x20, s30, s9, $0xb8;
	[tilespmem:$0xFA00] =	vst v63  }
0xfe: {  	s31 =	sadd.s32 $0x578, s21  }
0xff: {  	[tilespmem:s16], [sflag:$0x1] =	stream.indirect.gather [hbm4b:s3+s7], $0x20, s31, s7, $0xb8;
	[tilespmem:$0xFA00] =	vst v63  }
0x100: {  	s21 =	sadd.s32 $0x5D8, s21  }
0x101: {  	[tilespmem:s17], [sflag:$0x1] =	stream.indirect.gather [hbm4b:s3+s9], $0x20, s21, s9, $0xb8;
	[tilespmem:$0xFA00] =	vst v63  }
0x102: {  	_ =	swait.ge [sflag:s10], $0xC00  }
0x103: {  	[sflag:s10] =	ssyncset.done $0x0  }
0x104: {  	[sflag:s10] =	ssyncadd.s32 $0xFFFFF400  }
0x105: {  	_ =	swait.ge [sflag:s10], $0xD00  }
0x106: {  	[sflag:s10] =	ssyncset.done $0x0  }
0x107: {  	[sflag:s10] =	ssyncadd.s32 $0xFFFFF300  }
0x108: {  	_ =	swait.ge [sflag:s10], $0xC00  }
0x109: {  	[sflag:s10] =	ssyncset.done $0x0  }
0x10a: {  	[sflag:s10] =	ssyncadd.s32 $0xFFFFF400  }
0x10b: {  	_ =	swait.ge [sflag:s10], $0xD00  }
0x10c: {  	[sflag:s10] =	ssyncset.done $0x0  }
0x10d: {  	[sflag:s10] =	ssyncadd.s32 $0xFFFFF300  }
0x10e: {  	_ =	swait.ge [sflag:s10], $0xC00  }
0x10f: {  	[sflag:s10] =	ssyncset.done $0x0  }
0x110: {  	[sflag:s10] =	ssyncadd.s32 $0xFFFFF400  }
0x111: {  	_ =	swait.ge [sflag:s10], $0xD00  }
0x112: {  	[sflag:s10] =	ssyncset.done $0x0  }
0x113: {  	[sflag:s10] =	ssyncadd.s32 $0xFFFFF300  }
0x114: {  	_ =	swait.ge [sflag:s10], $0xC00  }
0x115: {  	[sflag:s10] =	ssyncset.done $0x0  }
0x116: {  	[sflag:s10] =	ssyncadd.s32 $0xFFFFF400  }
0x117: {  	_ =	swait.ge [sflag:s10], $0xD00  }
0x118: {  	[sflag:s10] =	ssyncset.done $0x0  }
0x119: {  	s19 =	sadd.s32 $0x1, s19;
	s20 =	sadd.s32 $0xC80, s20;
	[sflag:s10] =	ssyncadd.s32 $0xFFFFF300  }
0x11a: {  	[hbm4b:s20+s2] =	stream.linear.scatter [tilespmem:s11], [sflag:$0x2], $0x6400, $0x38;
	[tilespmem:$0xFA00] =	vst v63  }
0x11b: {  	p0 =	sne.s32 s19, s5;
	_ =	swait.ge [sflag:s18], $0x6400  }
.Ltmp1:
0x11c: {  	[sflag:s18] =	ssyncset.done $0x0;
	(pc) =	sbr.rel @p0 .LBB2_1-.Ltmp1, $4  }
0x11d: {  	[sflag:s18] =	ssyncadd.s32 $0xFFFF9C00  }
0x11e: {  	_ =	swait.ge [sflag:s18], $0x6400  }
0x11f: {  	[sflag:s18] =	ssyncset.done $0x0  }
0x120: {  	[sflag:s18] =	ssyncadd.s32 $0xFFFF9C00  }
0x121: {  	_ =	sfence.sel $0x180000  }
0x122: {  	[bflag:$0x0] =	sbarrier.arrive $0xFFFF  }
0x123: {  	p0 =	sne.s32 s1, $0x0;
	_ =	strace $0x90000047  }
0x124: {  	s0 =	sadd.s32 @!p0 $0x100000, s0;
	[bflag:$0x2] =	sbarrier.arrive $0xFFFF  }
0x125: {  	[sflag:s0] =	ssyncadd.tile.s32 @!p0 $0x1;
	_ =	shalt  }
.Lfunc_end2:
_tile_overlayer_lowered:
.L_overlay_start_2:
0x126: {  	(tag) =	ssettag $0x2  }
0x127: {  	s0 =	rddreg [dreg:$0x0];
	s2 =	stileid.u32  }
0x128: {  	s1 =	rddreg [dreg:$0x1];
	p0 =	sne.s32 s2, $0x0  }
0x129: {  	s3 =	rddreg [dreg:$0x2];
	[bflag:$0x3] =	sbarrier.arrive $0xFFFF;
	s2 =	simm.s32 @!p0 $0x1C03  }
0x12a: {  	[timem:s3], [sflag:s2] =	dma.local @!p0 [hbm:s0], s1  }
0x12b: {  	s0 =	simm.s32 @!p0 $0x3  }
0x12c: {  	_ =	swait.ge @!p0 [sflag:s0], s1  }
0x12d: {  	s1 =	ssub.s32 @!p0 $0x0, s1;
	[sflag:s0] =	ssyncset.done @!p0 $0x0  }
0x12e: {  	[sflag:s0] =	ssyncadd.s32 @!p0 s1  }
0x12f: {  	[bflag:$0x3] =	sbarrier.arrive $0xFFFF  }
0x130: {  	_ =	shalt  }

// kernel: sparse-core-data-format-call.cloned.1.call-start
scs
called_computation_lowered:
.L_overlay_start_0:
0x0: {  	s2 =	sld [smem:$0x3FD9]  }
0x1: {  	s3 =	sld [smem:$0x3FFE];
	_ =	sdelay $0x1  }
0x2: {  	s1 =	srdreg.scid  }
0x3: {  	s0 =	sand.u32 $0x1, s1  }
0x4: {  	s18 =	sshll.u32 s0, $0xA;
	s2 =	sadd.s32 s3, s2  }
0x5: {  	s2 =	sadd.s32 s2, s18  }
0x6: {  	[smem:$0x3FC6] =	sst s2  }
0x7: {  	_ = 	snop  }
0x8: {  	s2 =	sld [smem:$0x3FD0];
	(tm) =	ssettm $0x1  }
0x9: {  	s19 =	sld [smem:$0x3FFB];
	_ =	sdelay $0x3  }
0xa: {  	_ =	strace s19  }
0xb: {  	s3 =	sld [smem:$0x3FFC];
	_ =	sdelay $0x3  }
0xc: {  	_ =	strace s3  }
0xd: {  	s3 =	sld [smem:$0x3FFD];
	_ =	sdelay $0x3  }
0xe: {  	_ =	strace s3  }
0xf: {  	_ =	strace $0x8FFFFFFF  }
0x10: {  	s20 =	sld [smem:$0x3FDB];
	_ =	sdelay $0x1  }
0x11: {  	s4 =	simm.s32 $_scs_section_size  }
0x12: {  	s5 =	simm.s32 $_size__tile_overlayer_lowered;
	s6 =	simm.s32 $_tile_overlayer_lowered  }
0x13: {  	s23 =	simm.s32 $0x1BFF;
	s22 =	sshll.u32 s6, $0x1;
	s3 =	sadd.s32 s4, s20  }
0x14: {  	s7 =	simm.s32 $0x0;
	s21 =	sshll.u32 s5, $0x1;
	s5 =	sadd.s32 s22, s3  }
0x15: {  	[timem:s7], [sflag:s23] =	dma.local [hbm:s5], s21  }
0x16: {  	_ =	swait.ge [sflag:s23], s21  }
0x17: {  	s4 =	ssub.s32 $0x0, s21;
	[sflag:s23] =	ssyncset.done $0x0  }
0x18: {  	[sflag:s23] =	ssyncadd.s32 s4;
	_ =	sdelay $0x1  }
0x19: {  	s24 =	simm.s32 $0x1B8B  }
0x1a: {  	_ =	swait.ge [sflag:s24], $0x1  }
0x1b: {  	[sflag:s24] =	ssyncset.done $0x0  }
0x1c: {  	s26 =	simm.s32 $0x1B8E;
	s25 =	sld [smem:$0x3FFE];
	[sflag:s24] =	ssyncadd.s32 $0xFFFFFFFF  }
0x1d: {  	s27 =	simm.s32 $execute0_lowered;
	[smem:$0x3FD2] =	sst s26  }
0x1e: {  	s5 =	sshll.u32 s27, $0x1;
	_ =	strace $0x80000049;
	[dreg:$0x1] =	wrdreg $0xFFFFFFFF  }
0x1f: {  	s28 =	simm.s32 $_size_execute0_lowered;
	s3 =	sadd.s32 s3, s5;
	[dreg:$0x0] =	wrdreg $0x0  }
0x20: {  	s5 =	sshll.u32 s28, $0x1;
	[dreg:$0x2] =	wrdreg s3  }
0x21: {  	[dreg:$0x3] =	wrdreg s5  }
0x22: {  	[dreg:$0x4] =	wrdreg $0xC0  }
0x23: {  	_ =	task [dreg:s7], $0x5FFFF  }
0x24: {  	[dreg:$0x1] =	wrdreg $0xFFFFFFFF  }
0x25: {  	[dreg:$0x0] =	wrdreg $0x60  }
0x26: {  	[dreg:$0x2] =	wrdreg s25  }
0x27: {  	[dreg:$0x3] =	wrdreg s2  }
0x28: {  	[dreg:$0x4] =	wrdreg $0x9  }
0x29: {  	_ =	task.clear_ibuf [dreg:s7], $0x5FFFF;
	_ =	strace $0x90000049  }
0x2a: {  	s29 =	simm.s32 $0x9;
	_ =	strace $0x8000004B  }
0x2b: {  	_ =	swait.ge [sflag:s29], $0x1  }
0x2c: {  	[sflag:s29] =	ssyncadd.s32 $0xFFFFFFFF  }
0x2d: {  	_ =	strace $0x9000004B  }
0x2e: {  	_ =	sfence  }
0x2f: {  	s30 =	sld [smem:$0x0];
	_ =	sdelay $0x2  }
0x30: {  	s31 =	sshll.u32 s1, $0xD;
	s1 =	sshrl.u32 s1, $0x2  }
0x31: {  	s3 =	sand.u32 $0x4000, s31;
	s1 =	sadd.s32 s1, s30  }
0x32: {  	s0 =	sor.u32 s3, s0;
	s1 =	sshll.u32 s1, $0x11  }
0x33: {  	s0 =	sor.u32 s1, s0  }
0x34: {  	s0 =	sadd.s32 $0x8F2B, s0  }
0x35: {  	[sflag:s0] =	ssyncadd.remote.s32 $0x1  }
0x36: {  	_ =	sfence.sel $0xFFFF  }
0x37: {  	[dreg:$0x0] =	wrdreg $0xFFFFFFFF;
	(pc) =	sbr.abs _section_cstart, $3  }
0x38: {  	[dreg:$0x1] =	wrdreg $0xFFFFFFFF  }
0x39: {  	_ =	task.clear_ibuf [dreg:s7], $0x2FFFF;
	_ =	strace $0x9FFFFFFF  }
0x3a: {  	(tm) =	ssettm $0x7FFFFFFF  }
0x3b: {  	_ =	shalt  }
tec
execute0_lowered:
.L_overlay_start_1:
0x0: {  	(tag) =	ssettag $0x1  }
0x1: {  	s7 =	rddreg [dreg:$0x0]  }
0x2: {  	s0 =	stileid.u32;
	s2 =	rddreg [dreg:$0x1]  }
0x3: {  	s1 =	rddreg [dreg:$0x2];
	s4 =	srdreg.scid;
	_ =	strace $0x8000004A  }
0x4: {  	s31 =	simm.s32 $0x2;
	s13 =	simm.s32 $0x0;
	s3 =	sshll.u32 s0, $0x7  }
0x5: {  	s14 =	simm.s32 $0x0;
	s4 =	sand.u32 $0x1, s4;
	s5 =	ssub.s32 $0x800, s3  }
0x6: {  	s12 =	simm.s32 $0x0;
	s8 =	ssub.s32 $0xC8, s4;
	s6 =	sand.u32 $0x780, s5  }
0x7: {  	s9 =	sshrl.u32 s5, $0xB;
	p0 =	sne.s32 s6, $0x0;
	s6 =	simm.s32 $0x1  }
.Ltmp0:
0x8: {  	s10 =	sshrl.u32 s8, $0x1;
	s6 =	simm.s32 @!p0 $0x0;
	(pc) =	sbr.rel .LBB1_1-.Ltmp0, $4  }
0x9: {  	s5 =	simm.s32 $0x1;
	s8 =	ssub.s32 s8, s10;
	s6 =	sadd.s32 s6, s9  }
0xa: {  	s7 =	sadd.s32 $0x800, s7;
	[sflag:s5] =	ssyncpa.u1 $0x0;
	s6 =	smul.u32 s8, s6  }
0xb: {  	s11 =	smov.u32 s3;
	s10 =	smov.u32 s4;
	[sflag:s31] =	ssyncpa.u1 $0x0  }
0xc: {  	p0 =	por $0x0, $0x0;
	s9 =	simm.s32 $0x4000;
	s8 =	sadd.s32 $0x1, s6  }
.LBB1_4:
0xd: {  	s17 =	sshll.u32 s14, $0x3;
	s18 =	sand.u32 $0x78, s14  }
0xe: {  	s30 =	sand.u32 $0x1F00, s14;
	s13 =	sshll.u32 s13, $0xD;
	s17 =	sand.u32 $0x400, s17  }
0xf: {  	s31 =	sand.u32 $0x7, s14;
	s17 =	sor.u32 s18, s17;
	s18 =	sadd.s32 s2, s30  }
0x10: {  	s14 =	sshll.u32 s31, $0x12;
	s17 =	sshrl.u32 s17, $0x3;
	s13 =	sadd.s32 s13, s18  }
0x11: {  	[tilespmem:s16+$0x0 ss:$0x81] =	vst.msk $0xffff, v0;
	s14 =	sor.u32 $0x400, s14;
	s13 =	sadd.s32 s17, s13  }
0x12: {  	[hbm4b:s13+s14] =	stream.strided.scatter [tilespmem:s15], [sflag:$0x2], $0x1000, s9, s14, $0x20;
	[tilespmem:$0x4040] =	vst v63  }
.LBB1_5:
0x13: {  	s15 =	sadd.s32 $0x2, s10  }
0x14: {  	s13 =	sadd.s32 $0x800, s11;
	s17 =	smov.u32 s11;
	p2 =	sgt.s32 s15, $0xC7  }
0x15: {  	s17 =	smov.u32 @p2 s13  }
0x16: {  	s15 =	smov.u32 @p2 s4;
	p2 =	sgt.s32 s17, $0x7FF  }
0x17: {  	s17 =	smov.u32 @p2 s3;
	p2 =	sne.s32 s12, s8  }
.Ltmp1:
0x18: {  	p1 =	slt.u32 s12, $0x2;
	(pc) =	sbr.rel @!p2 .LBB1_6-.Ltmp1, $4  }
0x19: {  	s16 =	simm.s32 @!p1 $0x2  }
0x1a: {  	s14 =	smov.u32 s11;
	p0 =	por !p0, !p0;
	_ =	swait.ge @!p1 [sflag:s16], $0x1000  }
0x1b: {  	s13 =	smov.u32 s10;
	[sflag:s16] =	ssyncset.done @!p1 $0x0;
	s10 =	smov.u32 s15  }
0x1c: {  	s12 =	sadd.s32 $0x1, s12;
	[sflag:s16] =	ssyncadd.s32 @!p1 $0xFFFFF000;
	s11 =	smov.u32 s17  }
.LBB1_1:
0x1d: {  	p1 =	sge.u32 s12, s6  }
0x1e: {  	s15 =	sand.u32 @!p1 $0x1FFFFFF, s10  }
0x1f: {  	s16 =	smulhi.u32 @!p1 $0x147AE15, s15;
	_ =	sdelay $0x1  }
0x20: {  	s16 =	smul.u32 @!p1 $0xC8, s16  }
0x21: {  	s17 =	sxor.u32 @!p1 $0xFFFFFFFF, s12;
	s18 =	smul.u32 @!p1 $0xC80, s11  }
0x22: {  	s31 =	sadd.s32 $0xFFFFFFFF, s12;
	s17 =	sshll.u32 @!p1 s17, $0xC;
	s15 =	ssub.s32 @!p1 s15, s16  }
0x23: {  	s16 =	sand.u32 @!p1 $0x1000, s17;
	s17 =	sadd.s32 @!p1 s7, s18;
	s15 =	sshll.u32 @!p1 s15, $0x4  }
0x24: {  	s18 =	simm.s32 @!p1 $0x6400;
	s15 =	sadd.s32 @!p1 s15, s17;
	s17 =	simm.s32 @!p1 $0x20  }
0x25: {  	[tilespmem:s16], [sflag:$0x1] =	stream.strided.gather @!p1 [hbm4b:s15+s17], $0x1000, s18, s17, $0x38;
	[tilespmem:$0x4040] =	vst v63  }
0x26: {  	p1 =	sge.u32 s31, s6  }
.Ltmp2:
0x27: {  	_ = 	snop;
	(pc) =	sbr.rel @p1 .LBB1_5-.Ltmp2, $1  }
0x28: {  	_ =	sdelay $0x3  }
0x29: {  	s15 =	simm.s32 $0x1  }
0x2a: {  	_ =	swait.ge [sflag:s5], $0x1000;
	s15 =	simm.s32 @!p0 $0x0  }
0x2b: {  	[sflag:s5] =	ssyncset.done $0x0;
	s16 =	sshll.u32 s15, $0xC  }
0x2c: {  	[sflag:s5] =	ssyncadd.s32 $0xFFFFF000;
	s19 =	sor.u32 $0x10, s16  }
0x2d: {  	s15 =	smul.u32 $0x4080, s15;
	v1 =	vld [tilespmem:s19+$0x0]  }
0x2e: {  	s30 =	sand.u32 $0x1, s12;
	v0 =	vld [tilespmem:s19+$0xFFFFFFF0]  }
0x2f: {  	s16 =	smul.u32 $0x4080, s30;
	s15 =	sshrl.u32 s15, $0x2  }
0x30: {  	s17 =	sor.u32 $0x2000, s15  }
0x31: {  	s31 =	sshrl.u32 s16, $0x2;
	s16 =	sadd.s32 $0x0, s17  }
0x32: {  	s18 =	simm.s32 $0x4;
	s19 =	sadd.s32 $0x20, s19;
	s15 =	sor.u32 $0x2000, s31;
	[tilespmem:s16+$0x810 ss:$0x81] =	vst.msk $0xffff, v1  }
.LBB1_3:
0x33: {  	v1 =	vld [tilespmem:s19+$0x0];
	p1 =	sne.s32 s18, $0x1FC;
	[tilespmem:s16+$0x0 ss:$0x81] =	vst.msk $0xffff, v0;
	s16 =	smov.u32 s18;
	s18 =	sadd.s32 $0x4, s18  }
.Ltmp3:
0x34: {  	v0 =	vld [tilespmem:s19+$0xFFFFFFF0];
	(pc) =	sbr.rel @p1 .LBB1_3-.Ltmp3, $4  }
0x35: {  	_ = 	snop  }
0x36: {  	s16 =	sshra.s32 s16, $0x2  }
0x37: {  	s16 =	sadd.s32 s16, s17  }
0x38: {  	s19 =	sadd.s32 $0x20, s19;
	[tilespmem:s16+$0x810 ss:$0x81] =	vst.msk $0xffff, v1  }
.Ltmp4:
0x39: {  	_ = 	snop;
	(pc) =	sbr.rel .LBB1_4-.Ltmp4, $1  }
0x3a: {  	_ =	sdelay $0x3  }
.LBB1_6:
0x3b: {  	_ =	sfence.sel $0x180000  }
0x3c: {  	s2 =	simm.s32 $0x1;
	[bflag:$0x0] =	sbarrier.arrive $0xFFFF  }
0x3d: {  	s31 =	simm.s32 $0x2;
	[sflag:s2] =	ssyncpa.u1 $0x1  }
0x3e: {  	[sflag:s31] =	ssyncpa.u1 $0x1  }
0x3f: {  	p0 =	sne.s32 s0, $0x0;
	_ =	strace $0x9000004A  }
0x40: {  	s0 =	sadd.s32 @!p0 $0x100000, s1;
	[bflag:$0x2] =	sbarrier.arrive $0xFFFF  }
0x41: {  	[sflag:s0] =	ssyncadd.tile.s32 @!p0 $0x1;
	_ =	shalt  }
.Lfunc_end1:
_tile_overlayer_lowered:
.L_overlay_start_2:
0x42: {  	(tag) =	ssettag $0x2  }
0x43: {  	s0 =	rddreg [dreg:$0x0];
	s2 =	stileid.u32  }
0x44: {  	s1 =	rddreg [dreg:$0x1];
	p0 =	sne.s32 s2, $0x0  }
0x45: {  	s3 =	rddreg [dreg:$0x2];
	[bflag:$0x3] =	sbarrier.arrive $0xFFFF;
	s2 =	simm.s32 @!p0 $0x1C01  }
0x46: {  	[timem:s3], [sflag:s2] =	dma.local @!p0 [hbm:s0], s1  }
0x47: {  	s0 =	simm.s32 @!p0 $0x1  }
0x48: {  	_ =	swait.ge @!p0 [sflag:s0], s1  }
0x49: {  	s1 =	ssub.s32 @!p0 $0x0, s1;
	[sflag:s0] =	ssyncset.done @!p0 $0x0  }
0x4a: {  	[sflag:s0] =	ssyncadd.s32 @!p0 s1  }
0x4b: {  	[bflag:$0x3] =	sbarrier.arrive $0xFFFF  }
0x4c: {  	_ =	shalt  }

</sc_bundles>
